<compile_context>
chip_gen: v7x
topology: tpu7x:2x2x1
jax: 0.10.2.dev20260603
libtpu: 0.0.44.dev20260713+nightly
codegen_flags: <defaults>
</compile_context>

<pallas_src>
import functools

import jax
import jax.numpy as jnp
from jax import lax
from jax.experimental import pallas as pl
from jax.experimental.pallas import tpu as pltpu
from jax.experimental.pallas import tpu_sc as plsc

_NUM_CORES = 2
_NUM_SUBCORES = 16
_NW = _NUM_CORES * _NUM_SUBCORES
_LANES = 16
_CHUNK = 128


@functools.cache
def _build(B, D):
    rows_per_w = B // _NW
    n_chunks = rows_per_w // _CHUNK
    vecs_per_row = D // _LANES
    assert rows_per_w * _NW == B and n_chunks * _CHUNK == rows_per_w
    assert vecs_per_row * _LANES == D

    mesh = plsc.VectorSubcoreMesh(core_axis_name="c", subcore_axis_name="s")

    @functools.partial(
        pl.kernel,
        out_type=jax.ShapeDtypeStruct((_NW * _LANES,), jnp.float32),
        mesh=mesh,
        scratch_types=[
            pltpu.VMEM((n_chunks, _CHUNK), jnp.int32),
            pltpu.VMEM((2, _CHUNK, D), jnp.float32),
            pltpu.VMEM((2, _CHUNK, D), jnp.float32),
            pltpu.VMEM((2, _CHUNK, D), jnp.float32),
            pltpu.VMEM((_LANES,), jnp.float32),
            [pltpu.SemaphoreType.DMA] * 6,
        ],
    )
    def sc_kernel(feat_hbm, a_hbm, label_hbm, centers_hbm, out_hbm,
                  idx_v, cent_v, feat_v, a_v, acc_v, sems):
        wid = lax.axis_index("s") * _NUM_CORES + lax.axis_index("c")
        base = wid * rows_per_w

        def fire_linear(ci, slot):
            row0 = base + ci * _CHUNK
            return (
                pltpu.async_copy(feat_hbm.at[pl.ds(row0, _CHUNK), :],
                                 feat_v.at[slot], sems[3 * slot + 1]),
                pltpu.async_copy(a_hbm.at[pl.ds(row0, _CHUNK), :],
                                 a_v.at[slot], sems[3 * slot + 2]),
            )

        def fire_gather(ci, slot):
            return pltpu.async_copy(centers_hbm.at[idx_v.at[ci]],
                                    cent_v.at[slot], sems[3 * slot])

        lin0 = fire_linear(0, 0)
        pltpu.sync_copy(label_hbm.at[pl.ds(wid * n_chunks, n_chunks), :],
                        idx_v)
        in_flight = lin0 + (fire_gather(0, 0),)

        acc = tuple(jnp.zeros((_LANES,), jnp.float32)
                    for _ in range(vecs_per_row))
        for ci in range(n_chunks):
            slot = ci % 2
            cur = in_flight
            if ci + 1 < n_chunks:
                in_flight = ((fire_gather(ci + 1, 1 - slot),)
                             + fire_linear(ci + 1, 1 - slot))
            for cp in cur:
                cp.wait()

            def row_body(r, accs):
                new = []
                for j in range(vecs_per_row):
                    f = feat_v[slot, r, pl.ds(j * _LANES, _LANES)]
                    c = cent_v[slot, r, pl.ds(j * _LANES, _LANES)]
                    w = a_v[slot, r, pl.ds(j * _LANES, _LANES)]
                    d = f - c
                    new.append(accs[j] + w * d * d)
                return tuple(new)

            acc = lax.fori_loop(0, _CHUNK, row_body, acc)
        total = acc[0]
        for j in range(1, vecs_per_row):
            total = total + acc[j]
        acc_v[...] = total
        pltpu.sync_copy(acc_v, out_hbm.at[pl.ds(wid * _LANES, _LANES)])

    return sc_kernel


def kernel(feat, A, label, centers):
    B, D = feat.shape
    label2d = label.astype(jnp.int32).reshape(B // _CHUNK, _CHUNK)
    partials = _build(B, D)(feat, A, label2d, centers)
    return jnp.sum(partials) * (0.5 / B)

# --- scband reference (transcript-rebuilt; emitter-appended) ---
"""Pipeline reference for scband-sparse-center-loss-21234318311461 (READ-ONLY COPY).

The authoritative reference and input builder live on the scoring server;
editing this copy changes nothing except your own understanding.
"""

import jax, jax.numpy as jnp
import numpy as np

NUM_CLASSES = 100000
FEAT_DIM = 128
BATCH = 16384

def setup_inputs(seed: int = 0) -> dict:
    key = jax.random.key(seed)
    k1, k2, k3, k4 = jax.random.split(key, 4)
    feat = jax.random.normal(k1, (BATCH, FEAT_DIM), dtype=jnp.float32)
    A = jax.random.uniform(k2, (BATCH, FEAT_DIM), dtype=jnp.float32)
    label = jax.random.randint(k3, (BATCH,), 0, NUM_CLASSES, dtype=jnp.int64)
    # centers param: kaiming_normal_ on centers.t() -> fan_in = num_classes for the transposed view;
    # torch kaiming_normal_ default: std = sqrt(2 / fan_in) with fan_in computed on the (feat_dim, num_classes) view -> fan_in = num_classes
    std = float(np.sqrt(2.0 / NUM_CLASSES))
    centers = jax.random.normal(k4, (NUM_CLASSES, FEAT_DIM), dtype=jnp.float32) * std
    return {"feat": feat, "A": A, "label": label, "centers": centers}

def reference(feat, A, label, centers):
    batch_size = feat.shape[0]
    feat = feat.reshape(batch_size, -1)
    # size_average=True -> divide by batch_size
    centers_batch = jnp.take(centers, label, axis=0)
    loss = jnp.sum(A * jnp.square(feat - centers_batch)) / 2.0 / batch_size
    return loss

if __name__ == "__main__":
    import jax
    _d = setup_inputs()
    print(jax.jit(kernel)(*tuple(_d.values())))

</pallas_src>

<mosaic_0001>
#map = affine_map<(d0, d1) -> (0, 0)>
#map1 = affine_map<(d0, d1) -> (0)>
module attributes {stable_mosaic.version = 14 : i64} {
  func.func @sc_kernel(%arg0: i32, %arg1: i32, %arg2: memref<16384x128xf32, #tpu.memory_space<hbm>>, %arg3: memref<16384x128xf32, #tpu.memory_space<hbm>>, %arg4: memref<128x128xi32, #tpu.memory_space<hbm>>, %arg5: memref<100000x128xf32, #tpu.memory_space<hbm>>, %arg6: memref<512xf32, #tpu.memory_space<hbm>>, %arg7: memref<4x128xi32, #tpu.memory_space<vmem>>, %arg8: memref<2x128x128xf32, #tpu.memory_space<vmem>>, %arg9: memref<2x128x128xf32, #tpu.memory_space<vmem>>, %arg10: memref<2x128x128xf32, #tpu.memory_space<vmem>>, %arg11: memref<16xf32, #tpu.memory_space<vmem>>, %arg12: memref<!tpu.dma_semaphore, #tpu.memory_space<semaphore_mem>>, %arg13: memref<!tpu.dma_semaphore, #tpu.memory_space<semaphore_mem>>, %arg14: memref<!tpu.dma_semaphore, #tpu.memory_space<semaphore_mem>>, %arg15: memref<!tpu.dma_semaphore, #tpu.memory_space<semaphore_mem>>, %arg16: memref<!tpu.dma_semaphore, #tpu.memory_space<semaphore_mem>>, %arg17: memref<!tpu.dma_semaphore, #tpu.memory_space<semaphore_mem>>) attributes {dimension_semantics = [#tpu.dimension_semantics<core_parallel>, #tpu.dimension_semantics<subcore_parallel>], iteration_bounds = array<i64: 2, 16>, scalar_prefetch = 0 : i64, scratch_operands = 11 : i64, tpu.core_type = #tpu.core_type<sc_vector_subcore>, window_params = [{transform_indices = #map}, {transform_indices = #map}, {transform_indices = #map}, {transform_indices = #map}, {transform_indices = #map1}]} {
    %mul3A = arith.constant 2 : i32
    %mul3A_0 = arith.muli %arg1, %mul3A : i32
    %add3A = arith.addi %mul3A_0, %arg0 : i32
    %mul3A_1 = arith.constant 512 : i32
    %mul3A_2 = arith.muli %add3A, %mul3A_1 : i32
    %add3A_3 = arith.constant 0 : i32
    %add3A_4 = arith.addi %mul3A_2, %add3A_3 : i32
    %dma_start3A = arith.constant 0 : i32
    %dma_start3A_5 = arith.constant 0 : i32
    %dma_start3A_6 = arith.constant 0 : i32
    %dma_start3A_7 = tpu.memref_slice %arg9[%dma_start3A, %dma_start3A_5, %dma_start3A_6] : memref<2x128x128xf32, #tpu.memory_space<vmem>> -> memref<1x128x128xf32, #tpu.memory_space<vmem>>
    %dma_start3A_8 = tpu.memref_squeeze %dma_start3A_7 : memref<1x128x128xf32, #tpu.memory_space<vmem>> -> memref<128x128xf32, #tpu.memory_space<vmem>>
    %dma_start3A_9 = arith.constant 0 : i32
    %dma_start3A_10 = tpu.memref_slice %arg2[%add3A_4, %dma_start3A_9] : memref<16384x128xf32, #tpu.memory_space<hbm>> -> memref<128x128xf32, #tpu.memory_space<hbm>>
    %dma_start3A_11 = arith.constant 0 : i32
    %dma_start3A_12 = arith.constant 0 : i32
    %dma_start3A_13 = tpu.memref_slice %arg9[%dma_start3A, %dma_start3A_11, %dma_start3A_12] : memref<2x128x128xf32, #tpu.memory_space<vmem>> -> memref<1x128x128xf32, #tpu.memory_space<vmem>>
    %dma_start3A_14 = tpu.memref_squeeze %dma_start3A_13 : memref<1x128x128xf32, #tpu.memory_space<vmem>> -> memref<128x128xf32, #tpu.memory_space<vmem>>
    %dma_start3A_15 = arith.constant 0 : i32
    %dma_start3A_16 = tpu.memref_slice %arg2[%add3A_4, %dma_start3A_15] : memref<16384x128xf32, #tpu.memory_space<hbm>> -> memref<128x128xf32, #tpu.memory_space<hbm>>
    tpu.enqueue_dma source(%dma_start3A_16 : memref<128x128xf32, #tpu.memory_space<hbm>>) target(%dma_start3A_14 : memref<128x128xf32, #tpu.memory_space<vmem>>) target_semaphore(%arg13 : memref<!tpu.dma_semaphore, #tpu.memory_space<semaphore_mem>>)
    %dma_start3A_17 = arith.constant 0 : i32
    %dma_start3A_18 = arith.constant 0 : i32
    %dma_start3A_19 = arith.constant 0 : i32
    %dma_start3A_20 = tpu.memref_slice %arg10[%dma_start3A_17, %dma_start3A_18, %dma_start3A_19] : memref<2x128x128xf32, #tpu.memory_space<vmem>> -> memref<1x128x128xf32, #tpu.memory_space<vmem>>
    %dma_start3A_21 = tpu.memref_squeeze %dma_start3A_20 : memref<1x128x128xf32, #tpu.memory_space<vmem>> -> memref<128x128xf32, #tpu.memory_space<vmem>>
    %dma_start3A_22 = arith.constant 0 : i32
    %dma_start3A_23 = tpu.memref_slice %arg3[%add3A_4, %dma_start3A_22] : memref<16384x128xf32, #tpu.memory_space<hbm>> -> memref<128x128xf32, #tpu.memory_space<hbm>>
    %dma_start3A_24 = arith.constant 0 : i32
    %dma_start3A_25 = arith.constant 0 : i32
    %dma_start3A_26 = tpu.memref_slice %arg10[%dma_start3A_17, %dma_start3A_24, %dma_start3A_25] : memref<2x128x128xf32, #tpu.memory_space<vmem>> -> memref<1x128x128xf32, #tpu.memory_space<vmem>>
    %dma_start3A_27 = tpu.memref_squeeze %dma_start3A_26 : memref<1x128x128xf32, #tpu.memory_space<vmem>> -> memref<128x128xf32, #tpu.memory_space<vmem>>
    %dma_start3A_28 = arith.constant 0 : i32
    %dma_start3A_29 = tpu.memref_slice %arg3[%add3A_4, %dma_start3A_28] : memref<16384x128xf32, #tpu.memory_space<hbm>> -> memref<128x128xf32, #tpu.memory_space<hbm>>
    tpu.enqueue_dma source(%dma_start3A_29 : memref<128x128xf32, #tpu.memory_space<hbm>>) target(%dma_start3A_27 : memref<128x128xf32, #tpu.memory_space<vmem>>) target_semaphore(%arg14 : memref<!tpu.dma_semaphore, #tpu.memory_space<semaphore_mem>>)
    %mul3A_30 = arith.constant 4 : i32
    %mul3A_31 = arith.muli %add3A, %mul3A_30 : i32
    "tpu.region"() ({
      %run_scoped3A = tpu.sem_alloc : memref<!tpu.dma_semaphore, #tpu.memory_space<semaphore_mem>>
      %dma_start3A_365 = arith.constant 0 : i32
      %dma_start3A_366 = tpu.memref_slice %arg4[%mul3A_31, %dma_start3A_365] : memref<128x128xi32, #tpu.memory_space<hbm>> -> memref<4x128xi32, #tpu.memory_space<hbm>>
      %dma_start3A_367 = arith.constant 0 : i32
      %dma_start3A_368 = tpu.memref_slice %arg4[%mul3A_31, %dma_start3A_367] : memref<128x128xi32, #tpu.memory_space<hbm>> -> memref<4x128xi32, #tpu.memory_space<hbm>>
      tpu.enqueue_dma source(%dma_start3A_368 : memref<4x128xi32, #tpu.memory_space<hbm>>) target(%arg7 : memref<4x128xi32, #tpu.memory_space<vmem>>) target_semaphore(%run_scoped3A : memref<!tpu.dma_semaphore, #tpu.memory_space<semaphore_mem>>)
      %dma_wait3A_369 = arith.constant 0 : i32
      %dma_wait3A_370 = tpu.memref_slice %arg4[%mul3A_31, %dma_wait3A_369] : memref<128x128xi32, #tpu.memory_space<hbm>> -> memref<4x128xi32, #tpu.memory_space<hbm>>
      %dma_wait3A_371 = arith.constant 0 : i32
      %dma_wait3A_372 = tpu.memref_slice %arg4[%mul3A_31, %dma_wait3A_371] : memref<128x128xi32, #tpu.memory_space<hbm>> -> memref<4x128xi32, #tpu.memory_space<hbm>>
      tpu.wait_dma2 semaphore(%run_scoped3A : memref<!tpu.dma_semaphore, #tpu.memory_space<semaphore_mem>>) src(%dma_wait3A_372 : memref<4x128xi32, #tpu.memory_space<hbm>>) dst(%arg7 : memref<4x128xi32, #tpu.memory_space<vmem>>)
      tpu.yield
    }) : () -> ()
    %dma_start3A_32 = arith.constant 0 : i32
    %dma_start3A_33 = arith.constant 0 : i32
    %dma_start3A_34 = arith.constant 0 : i32
    %dma_start3A_35 = arith.constant 0 : i32
    %dma_start3A_36 = tpu.memref_slice %arg8[%dma_start3A_33, %dma_start3A_34, %dma_start3A_35] : memref<2x128x128xf32, #tpu.memory_space<vmem>> -> memref<1x128x128xf32, #tpu.memory_space<vmem>>
    %dma_start3A_37 = tpu.memref_squeeze %dma_start3A_36 : memref<1x128x128xf32, #tpu.memory_space<vmem>> -> memref<128x128xf32, #tpu.memory_space<vmem>>
    %dma_start3A_38 = arith.constant 0 : i32
    %dma_start3A_39 = tpu.memref_slice %arg7[%dma_start3A_32, %dma_start3A_38] : memref<4x128xi32, #tpu.memory_space<vmem>> -> memref<1x128xi32, #tpu.memory_space<vmem>>
    %dma_start3A_40 = tpu.memref_squeeze %dma_start3A_39 : memref<1x128xi32, #tpu.memory_space<vmem>> -> memref<128xi32, #tpu.memory_space<vmem>>
    %dma_start3A_41 = arith.constant 0 : i32
    %dma_start3A_42 = arith.constant 0 : i32
    %dma_start3A_43 = tpu.memref_slice %arg5[%dma_start3A_41, %dma_start3A_42] : memref<100000x128xf32, #tpu.memory_space<hbm>> -> memref<100000x128xf32, #tpu.memory_space<hbm>>
    tpu.enqueue_indirect_dma source(%dma_start3A_43 : memref<100000x128xf32, #tpu.memory_space<hbm>>) target(%dma_start3A_37 : memref<128x128xf32, #tpu.memory_space<vmem>>) offsets(%dma_start3A_40 : memref<128xi32, #tpu.memory_space<vmem>>) semaphore(%arg12 : memref<!tpu.dma_semaphore, #tpu.memory_space<semaphore_mem>>)
    %broadcast_in_dim3A = arith.constant 0.000000e+00 : f32
    %broadcast_in_dim3A_44 = vector.broadcast %broadcast_in_dim3A : f32 to vector<16xf32>
    %broadcast_in_dim3A_45 = arith.constant 0.000000e+00 : f32
    %broadcast_in_dim3A_46 = vector.broadcast %broadcast_in_dim3A_45 : f32 to vector<16xf32>
    %broadcast_in_dim3A_47 = arith.constant 0.000000e+00 : f32
    %broadcast_in_dim3A_48 = vector.broadcast %broadcast_in_dim3A_47 : f32 to vector<16xf32>
    %broadcast_in_dim3A_49 = arith.constant 0.000000e+00 : f32
    %broadcast_in_dim3A_50 = vector.broadcast %broadcast_in_dim3A_49 : f32 to vector<16xf32>
    %broadcast_in_dim3A_51 = arith.constant 0.000000e+00 : f32
    %broadcast_in_dim3A_52 = vector.broadcast %broadcast_in_dim3A_51 : f32 to vector<16xf32>
    %broadcast_in_dim3A_53 = arith.constant 0.000000e+00 : f32
    %broadcast_in_dim3A_54 = vector.broadcast %broadcast_in_dim3A_53 : f32 to vector<16xf32>
    %broadcast_in_dim3A_55 = arith.constant 0.000000e+00 : f32
    %broadcast_in_dim3A_56 = vector.broadcast %broadcast_in_dim3A_55 : f32 to vector<16xf32>
    %broadcast_in_dim3A_57 = arith.constant 0.000000e+00 : f32
    %broadcast_in_dim3A_58 = vector.broadcast %broadcast_in_dim3A_57 : f32 to vector<16xf32>
    %dma_start3A_59 = arith.constant 1 : i32
    %dma_start3A_60 = arith.constant 1 : i32
    %dma_start3A_61 = arith.constant 0 : i32
    %dma_start3A_62 = arith.constant 0 : i32
    %dma_start3A_63 = tpu.memref_slice %arg8[%dma_start3A_60, %dma_start3A_61, %dma_start3A_62] : memref<2x128x128xf32, #tpu.memory_space<vmem>> -> memref<1x128x128xf32, #tpu.memory_space<vmem>>
    %dma_start3A_64 = tpu.memref_squeeze %dma_start3A_63 : memref<1x128x128xf32, #tpu.memory_space<vmem>> -> memref<128x128xf32, #tpu.memory_space<vmem>>
    %dma_start3A_65 = arith.constant 0 : i32
    %dma_start3A_66 = tpu.memref_slice %arg7[%dma_start3A_59, %dma_start3A_65] : memref<4x128xi32, #tpu.memory_space<vmem>> -> memref<1x128xi32, #tpu.memory_space<vmem>>
    %dma_start3A_67 = tpu.memref_squeeze %dma_start3A_66 : memref<1x128xi32, #tpu.memory_space<vmem>> -> memref<128xi32, #tpu.memory_space<vmem>>
    %dma_start3A_68 = arith.constant 0 : i32
    %dma_start3A_69 = arith.constant 0 : i32
    %dma_start3A_70 = tpu.memref_slice %arg5[%dma_start3A_68, %dma_start3A_69] : memref<100000x128xf32, #tpu.memory_space<hbm>> -> memref<100000x128xf32, #tpu.memory_space<hbm>>
    tpu.enqueue_indirect_dma source(%dma_start3A_70 : memref<100000x128xf32, #tpu.memory_space<hbm>>) target(%dma_start3A_64 : memref<128x128xf32, #tpu.memory_space<vmem>>) offsets(%dma_start3A_67 : memref<128xi32, #tpu.memory_space<vmem>>) semaphore(%arg15 : memref<!tpu.dma_semaphore, #tpu.memory_space<semaphore_mem>>)
    %add3A_71 = arith.constant 128 : i32
    %add3A_72 = arith.addi %mul3A_2, %add3A_71 : i32
    %dma_start3A_73 = arith.constant 1 : i32
    %dma_start3A_74 = arith.constant 0 : i32
    %dma_start3A_75 = arith.constant 0 : i32
    %dma_start3A_76 = tpu.memref_slice %arg9[%dma_start3A_73, %dma_start3A_74, %dma_start3A_75] : memref<2x128x128xf32, #tpu.memory_space<vmem>> -> memref<1x128x128xf32, #tpu.memory_space<vmem>>
    %dma_start3A_77 = tpu.memref_squeeze %dma_start3A_76 : memref<1x128x128xf32, #tpu.memory_space<vmem>> -> memref<128x128xf32, #tpu.memory_space<vmem>>
    %dma_start3A_78 = arith.constant 0 : i32
    %dma_start3A_79 = tpu.memref_slice %arg2[%add3A_72, %dma_start3A_78] : memref<16384x128xf32, #tpu.memory_space<hbm>> -> memref<128x128xf32, #tpu.memory_space<hbm>>
    %dma_start3A_80 = arith.constant 0 : i32
    %dma_start3A_81 = arith.constant 0 : i32
    %dma_start3A_82 = tpu.memref_slice %arg9[%dma_start3A_73, %dma_start3A_80, %dma_start3A_81] : memref<2x128x128xf32, #tpu.memory_space<vmem>> -> memref<1x128x128xf32, #tpu.memory_space<vmem>>
    %dma_start3A_83 = tpu.memref_squeeze %dma_start3A_82 : memref<1x128x128xf32, #tpu.memory_space<vmem>> -> memref<128x128xf32, #tpu.memory_space<vmem>>
    %dma_start3A_84 = arith.constant 0 : i32
    %dma_start3A_85 = tpu.memref_slice %arg2[%add3A_72, %dma_start3A_84] : memref<16384x128xf32, #tpu.memory_space<hbm>> -> memref<128x128xf32, #tpu.memory_space<hbm>>
    tpu.enqueue_dma source(%dma_start3A_85 : memref<128x128xf32, #tpu.memory_space<hbm>>) target(%dma_start3A_83 : memref<128x128xf32, #tpu.memory_space<vmem>>) target_semaphore(%arg16 : memref<!tpu.dma_semaphore, #tpu.memory_space<semaphore_mem>>)
    %dma_start3A_86 = arith.constant 1 : i32
    %dma_start3A_87 = arith.constant 0 : i32
    %dma_start3A_88 = arith.constant 0 : i32
    %dma_start3A_89 = tpu.memref_slice %arg10[%dma_start3A_86, %dma_start3A_87, %dma_start3A_88] : memref<2x128x128xf32, #tpu.memory_space<vmem>> -> memref<1x128x128xf32, #tpu.memory_space<vmem>>
    %dma_start3A_90 = tpu.memref_squeeze %dma_start3A_89 : memref<1x128x128xf32, #tpu.memory_space<vmem>> -> memref<128x128xf32, #tpu.memory_space<vmem>>
    %dma_start3A_91 = arith.constant 0 : i32
    %dma_start3A_92 = tpu.memref_slice %arg3[%add3A_72, %dma_start3A_91] : memref<16384x128xf32, #tpu.memory_space<hbm>> -> memref<128x128xf32, #tpu.memory_space<hbm>>
    %dma_start3A_93 = arith.constant 0 : i32
    %dma_start3A_94 = arith.constant 0 : i32
    %dma_start3A_95 = tpu.memref_slice %arg10[%dma_start3A_86, %dma_start3A_93, %dma_start3A_94] : memref<2x128x128xf32, #tpu.memory_space<vmem>> -> memref<1x128x128xf32, #tpu.memory_space<vmem>>
    %dma_start3A_96 = tpu.memref_squeeze %dma_start3A_95 : memref<1x128x128xf32, #tpu.memory_space<vmem>> -> memref<128x128xf32, #tpu.memory_space<vmem>>
    %dma_start3A_97 = arith.constant 0 : i32
    %dma_start3A_98 = tpu.memref_slice %arg3[%add3A_72, %dma_start3A_97] : memref<16384x128xf32, #tpu.memory_space<hbm>> -> memref<128x128xf32, #tpu.memory_space<hbm>>
    tpu.enqueue_dma source(%dma_start3A_98 : memref<128x128xf32, #tpu.memory_space<hbm>>) target(%dma_start3A_96 : memref<128x128xf32, #tpu.memory_space<vmem>>) target_semaphore(%arg17 : memref<!tpu.dma_semaphore, #tpu.memory_space<semaphore_mem>>)
    %dma_wait3A = arith.constant 0 : i32
    %dma_wait3A_99 = arith.constant 0 : i32
    %dma_wait3A_100 = arith.constant 0 : i32
    %dma_wait3A_101 = tpu.memref_slice %arg9[%dma_wait3A, %dma_wait3A_99, %dma_wait3A_100] : memref<2x128x128xf32, #tpu.memory_space<vmem>> -> memref<1x128x128xf32, #tpu.memory_space<vmem>>
    %dma_wait3A_102 = tpu.memref_squeeze %dma_wait3A_101 : memref<1x128x128xf32, #tpu.memory_space<vmem>> -> memref<128x128xf32, #tpu.memory_space<vmem>>
    %dma_wait3A_103 = arith.constant 0 : i32
    %dma_wait3A_104 = tpu.memref_slice %arg2[%add3A_4, %dma_wait3A_103] : memref<16384x128xf32, #tpu.memory_space<hbm>> -> memref<128x128xf32, #tpu.memory_space<hbm>>
    %dma_wait3A_105 = arith.constant 0 : i32
    %dma_wait3A_106 = arith.constant 0 : i32
    %dma_wait3A_107 = tpu.memref_slice %arg9[%dma_wait3A, %dma_wait3A_105, %dma_wait3A_106] : memref<2x128x128xf32, #tpu.memory_space<vmem>> -> memref<1x128x128xf32, #tpu.memory_space<vmem>>
    %dma_wait3A_108 = tpu.memref_squeeze %dma_wait3A_107 : memref<1x128x128xf32, #tpu.memory_space<vmem>> -> memref<128x128xf32, #tpu.memory_space<vmem>>
    %dma_wait3A_109 = arith.constant 0 : i32
    %dma_wait3A_110 = tpu.memref_slice %arg2[%add3A_4, %dma_wait3A_109] : memref<16384x128xf32, #tpu.memory_space<hbm>> -> memref<128x128xf32, #tpu.memory_space<hbm>>
    tpu.wait_dma2 semaphore(%arg13 : memref<!tpu.dma_semaphore, #tpu.memory_space<semaphore_mem>>) src(%dma_wait3A_110 : memref<128x128xf32, #tpu.memory_space<hbm>>) dst(%dma_wait3A_108 : memref<128x128xf32, #tpu.memory_space<vmem>>)
    %dma_wait3A_111 = arith.constant 0 : i32
    %dma_wait3A_112 = arith.constant 0 : i32
    %dma_wait3A_113 = arith.constant 0 : i32
    %dma_wait3A_114 = tpu.memref_slice %arg10[%dma_wait3A_111, %dma_wait3A_112, %dma_wait3A_113] : memref<2x128x128xf32, #tpu.memory_space<vmem>> -> memref<1x128x128xf32, #tpu.memory_space<vmem>>
    %dma_wait3A_115 = tpu.memref_squeeze %dma_wait3A_114 : memref<1x128x128xf32, #tpu.memory_space<vmem>> -> memref<128x128xf32, #tpu.memory_space<vmem>>
    %dma_wait3A_116 = arith.constant 0 : i32
    %dma_wait3A_117 = tpu.memref_slice %arg3[%add3A_4, %dma_wait3A_116] : memref<16384x128xf32, #tpu.memory_space<hbm>> -> memref<128x128xf32, #tpu.memory_space<hbm>>
    %dma_wait3A_118 = arith.constant 0 : i32
    %dma_wait3A_119 = arith.constant 0 : i32
    %dma_wait3A_120 = tpu.memref_slice %arg10[%dma_wait3A_111, %dma_wait3A_118, %dma_wait3A_119] : memref<2x128x128xf32, #tpu.memory_space<vmem>> -> memref<1x128x128xf32, #tpu.memory_space<vmem>>
    %dma_wait3A_121 = tpu.memref_squeeze %dma_wait3A_120 : memref<1x128x128xf32, #tpu.memory_space<vmem>> -> memref<128x128xf32, #tpu.memory_space<vmem>>
    %dma_wait3A_122 = arith.constant 0 : i32
    %dma_wait3A_123 = tpu.memref_slice %arg3[%add3A_4, %dma_wait3A_122] : memref<16384x128xf32, #tpu.memory_space<hbm>> -> memref<128x128xf32, #tpu.memory_space<hbm>>
    tpu.wait_dma2 semaphore(%arg14 : memref<!tpu.dma_semaphore, #tpu.memory_space<semaphore_mem>>) src(%dma_wait3A_123 : memref<128x128xf32, #tpu.memory_space<hbm>>) dst(%dma_wait3A_121 : memref<128x128xf32, #tpu.memory_space<vmem>>)
    %dma_wait3A_124 = arith.constant 0 : i32
    %dma_wait3A_125 = arith.constant 0 : i32
    %dma_wait3A_126 = arith.constant 0 : i32
    %dma_wait3A_127 = arith.constant 0 : i32
    %dma_wait3A_128 = tpu.memref_slice %arg8[%dma_wait3A_125, %dma_wait3A_126, %dma_wait3A_127] : memref<2x128x128xf32, #tpu.memory_space<vmem>> -> memref<1x128x128xf32, #tpu.memory_space<vmem>>
    %dma_wait3A_129 = tpu.memref_squeeze %dma_wait3A_128 : memref<1x128x128xf32, #tpu.memory_space<vmem>> -> memref<128x128xf32, #tpu.memory_space<vmem>>
    %dma_wait3A_130 = arith.constant 0 : i32
    %dma_wait3A_131 = tpu.memref_slice %arg7[%dma_wait3A_124, %dma_wait3A_130] : memref<4x128xi32, #tpu.memory_space<vmem>> -> memref<1x128xi32, #tpu.memory_space<vmem>>
    %dma_wait3A_132 = tpu.memref_squeeze %dma_wait3A_131 : memref<1x128xi32, #tpu.memory_space<vmem>> -> memref<128xi32, #tpu.memory_space<vmem>>
    %dma_wait3A_133 = arith.constant 0 : i32
    %dma_wait3A_134 = arith.constant 0 : i32
    %dma_wait3A_135 = tpu.memref_slice %arg5[%dma_wait3A_133, %dma_wait3A_134] : memref<100000x128xf32, #tpu.memory_space<hbm>> -> memref<100000x128xf32, #tpu.memory_space<hbm>>
    tpu.wait_indirect_dma semaphore(%arg12 : memref<!tpu.dma_semaphore, #tpu.memory_space<semaphore_mem>>) src(%dma_wait3A_135 : memref<100000x128xf32, #tpu.memory_space<hbm>>) dst(%dma_wait3A_129 : memref<128x128xf32, #tpu.memory_space<vmem>>)
    %scan3A = arith.constant 0 : i32
    %scan3A_136 = arith.constant 128 : i32
    %scan3A_137 = arith.addi %scan3A, %scan3A_136 : i32
    %scan3A_138 = arith.constant 1 : i32
    %scan3A_139:8 = scf.for %scan3A_365 = %scan3A to %scan3A_137 step %scan3A_138 iter_args(%scan3A_366 = %broadcast_in_dim3A_44, %scan3A_367 = %broadcast_in_dim3A_46, %scan3A_368 = %broadcast_in_dim3A_48, %scan3A_369 = %broadcast_in_dim3A_50, %scan3A_370 = %broadcast_in_dim3A_52, %scan3A_371 = %broadcast_in_dim3A_54, %scan3A_372 = %broadcast_in_dim3A_56, %scan3A_373 = %broadcast_in_dim3A_58) -> (vector<16xf32>, vector<16xf32>, vector<16xf32>, vector<16xf32>, vector<16xf32>, vector<16xf32>, vector<16xf32>, vector<16xf32>)  : i32 {
      %get3A = arith.constant 0 : i32
      %get3A_374 = arith.index_cast %get3A : i32 to index
      %get3A_375 = arith.index_cast %scan3A_365 : i32 to index
      %get3A_376 = arith.constant 0 : index
      %get3A_377 = tpu.vector_load %arg9[%get3A_374, %get3A_375, %get3A_376] {strides = array<i32>} : memref<2x128x128xf32, #tpu.memory_space<vmem>>, vector<1x1x16xf32>,
      %get3A_378 = vector.shape_cast %get3A_377 : vector<1x1x16xf32> to vector<16xf32>
      %get3A_379 = arith.constant 0 : i32
      %get3A_380 = arith.index_cast %get3A_379 : i32 to index
      %get3A_381 = arith.index_cast %scan3A_365 : i32 to index
      %get3A_382 = arith.constant 0 : index
      %get3A_383 = tpu.vector_load %arg8[%get3A_380, %get3A_381, %get3A_382] {strides = array<i32>} : memref<2x128x128xf32, #tpu.memory_space<vmem>>, vector<1x1x16xf32>,
      %get3A_384 = vector.shape_cast %get3A_383 : vector<1x1x16xf32> to vector<16xf32>
      %get3A_385 = arith.constant 0 : i32
      %get3A_386 = arith.index_cast %get3A_385 : i32 to index
      %get3A_387 = arith.index_cast %scan3A_365 : i32 to index
      %get3A_388 = arith.constant 0 : index
      %get3A_389 = tpu.vector_load %arg10[%get3A_386, %get3A_387, %get3A_388] {strides = array<i32>} : memref<2x128x128xf32, #tpu.memory_space<vmem>>, vector<1x1x16xf32>,
      %get3A_390 = vector.shape_cast %get3A_389 : vector<1x1x16xf32> to vector<16xf32>
      %sub3A = arith.subf %get3A_378, %get3A_384 : vector<16xf32>
      %mul3A_391 = arith.mulf %get3A_390, %sub3A : vector<16xf32>
      %mul3A_392 = arith.mulf %mul3A_391, %sub3A : vector<16xf32>
      %add3A_393 = arith.addf %scan3A_366, %mul3A_392 : vector<16xf32>
      %get3A_394 = arith.constant 0 : i32
      %get3A_395 = arith.index_cast %get3A_394 : i32 to index
      %get3A_396 = arith.index_cast %scan3A_365 : i32 to index
      %get3A_397 = arith.constant 16 : index
      %get3A_398 = tpu.vector_load %arg9[%get3A_395, %get3A_396, %get3A_397] {strides = array<i32>} : memref<2x128x128xf32, #tpu.memory_space<vmem>>, vector<1x1x16xf32>,
      %get3A_399 = vector.shape_cast %get3A_398 : vector<1x1x16xf32> to vector<16xf32>
      %get3A_400 = arith.constant 0 : i32
      %get3A_401 = arith.index_cast %get3A_400 : i32 to index
      %get3A_402 = arith.index_cast %scan3A_365 : i32 to index
      %get3A_403 = arith.constant 16 : index
      %get3A_404 = tpu.vector_load %arg8[%get3A_401, %get3A_402, %get3A_403] {strides = array<i32>} : memref<2x128x128xf32, #tpu.memory_space<vmem>>, vector<1x1x16xf32>,
      %get3A_405 = vector.shape_cast %get3A_404 : vector<1x1x16xf32> to vector<16xf32>
      %get3A_406 = arith.constant 0 : i32
      %get3A_407 = arith.index_cast %get3A_406 : i32 to index
      %get3A_408 = arith.index_cast %scan3A_365 : i32 to index
      %get3A_409 = arith.constant 16 : index
      %get3A_410 = tpu.vector_load %arg10[%get3A_407, %get3A_408, %get3A_409] {strides = array<i32>} : memref<2x128x128xf32, #tpu.memory_space<vmem>>, vector<1x1x16xf32>,
      %get3A_411 = vector.shape_cast %get3A_410 : vector<1x1x16xf32> to vector<16xf32>
      %sub3A_412 = arith.subf %get3A_399, %get3A_405 : vector<16xf32>
      %mul3A_413 = arith.mulf %get3A_411, %sub3A_412 : vector<16xf32>
      %mul3A_414 = arith.mulf %mul3A_413, %sub3A_412 : vector<16xf32>
      %add3A_415 = arith.addf %scan3A_367, %mul3A_414 : vector<16xf32>
      %get3A_416 = arith.constant 0 : i32
      %get3A_417 = arith.index_cast %get3A_416 : i32 to index
      %get3A_418 = arith.index_cast %scan3A_365 : i32 to index
      %get3A_419 = arith.constant 32 : index
      %get3A_420 = tpu.vector_load %arg9[%get3A_417, %get3A_418, %get3A_419] {strides = array<i32>} : memref<2x128x128xf32, #tpu.memory_space<vmem>>, vector<1x1x16xf32>,
      %get3A_421 = vector.shape_cast %get3A_420 : vector<1x1x16xf32> to vector<16xf32>
      %get3A_422 = arith.constant 0 : i32
      %get3A_423 = arith.index_cast %get3A_422 : i32 to index
      %get3A_424 = arith.index_cast %scan3A_365 : i32 to index
      %get3A_425 = arith.constant 32 : index
      %get3A_426 = tpu.vector_load %arg8[%get3A_423, %get3A_424, %get3A_425] {strides = array<i32>} : memref<2x128x128xf32, #tpu.memory_space<vmem>>, vector<1x1x16xf32>,
      %get3A_427 = vector.shape_cast %get3A_426 : vector<1x1x16xf32> to vector<16xf32>
      %get3A_428 = arith.constant 0 : i32
      %get3A_429 = arith.index_cast %get3A_428 : i32 to index
      %get3A_430 = arith.index_cast %scan3A_365 : i32 to index
      %get3A_431 = arith.constant 32 : index
      %get3A_432 = tpu.vector_load %arg10[%get3A_429, %get3A_430, %get3A_431] {strides = array<i32>} : memref<2x128x128xf32, #tpu.memory_space<vmem>>, vector<1x1x16xf32>,
      %get3A_433 = vector.shape_cast %get3A_432 : vector<1x1x16xf32> to vector<16xf32>
      %sub3A_434 = arith.subf %get3A_421, %get3A_427 : vector<16xf32>
      %mul3A_435 = arith.mulf %get3A_433, %sub3A_434 : vector<16xf32>
      %mul3A_436 = arith.mulf %mul3A_435, %sub3A_434 : vector<16xf32>
      %add3A_437 = arith.addf %scan3A_368, %mul3A_436 : vector<16xf32>
      %get3A_438 = arith.constant 0 : i32
      %get3A_439 = arith.index_cast %get3A_438 : i32 to index
      %get3A_440 = arith.index_cast %scan3A_365 : i32 to index
      %get3A_441 = arith.constant 48 : index
      %get3A_442 = tpu.vector_load %arg9[%get3A_439, %get3A_440, %get3A_441] {strides = array<i32>} : memref<2x128x128xf32, #tpu.memory_space<vmem>>, vector<1x1x16xf32>,
      %get3A_443 = vector.shape_cast %get3A_442 : vector<1x1x16xf32> to vector<16xf32>
      %get3A_444 = arith.constant 0 : i32
      %get3A_445 = arith.index_cast %get3A_444 : i32 to index
      %get3A_446 = arith.index_cast %scan3A_365 : i32 to index
      %get3A_447 = arith.constant 48 : index
      %get3A_448 = tpu.vector_load %arg8[%get3A_445, %get3A_446, %get3A_447] {strides = array<i32>} : memref<2x128x128xf32, #tpu.memory_space<vmem>>, vector<1x1x16xf32>,
      %get3A_449 = vector.shape_cast %get3A_448 : vector<1x1x16xf32> to vector<16xf32>
      %get3A_450 = arith.constant 0 : i32
      %get3A_451 = arith.index_cast %get3A_450 : i32 to index
      %get3A_452 = arith.index_cast %scan3A_365 : i32 to index
      %get3A_453 = arith.constant 48 : index
      %get3A_454 = tpu.vector_load %arg10[%get3A_451, %get3A_452, %get3A_453] {strides = array<i32>} : memref<2x128x128xf32, #tpu.memory_space<vmem>>, vector<1x1x16xf32>,
      %get3A_455 = vector.shape_cast %get3A_454 : vector<1x1x16xf32> to vector<16xf32>
      %sub3A_456 = arith.subf %get3A_443, %get3A_449 : vector<16xf32>
      %mul3A_457 = arith.mulf %get3A_455, %sub3A_456 : vector<16xf32>
      %mul3A_458 = arith.mulf %mul3A_457, %sub3A_456 : vector<16xf32>
      %add3A_459 = arith.addf %scan3A_369, %mul3A_458 : vector<16xf32>
      %get3A_460 = arith.constant 0 : i32
      %get3A_461 = arith.index_cast %get3A_460 : i32 to index
      %get3A_462 = arith.index_cast %scan3A_365 : i32 to index
      %get3A_463 = arith.constant 64 : index
      %get3A_464 = tpu.vector_load %arg9[%get3A_461, %get3A_462, %get3A_463] {strides = array<i32>} : memref<2x128x128xf32, #tpu.memory_space<vmem>>, vector<1x1x16xf32>,
      %get3A_465 = vector.shape_cast %get3A_464 : vector<1x1x16xf32> to vector<16xf32>
      %get3A_466 = arith.constant 0 : i32
      %get3A_467 = arith.index_cast %get3A_466 : i32 to index
      %get3A_468 = arith.index_cast %scan3A_365 : i32 to index
      %get3A_469 = arith.constant 64 : index
      %get3A_470 = tpu.vector_load %arg8[%get3A_467, %get3A_468, %get3A_469] {strides = array<i32>} : memref<2x128x128xf32, #tpu.memory_space<vmem>>, vector<1x1x16xf32>,
      %get3A_471 = vector.shape_cast %get3A_470 : vector<1x1x16xf32> to vector<16xf32>
      %get3A_472 = arith.constant 0 : i32
      %get3A_473 = arith.index_cast %get3A_472 : i32 to index
      %get3A_474 = arith.index_cast %scan3A_365 : i32 to index
      %get3A_475 = arith.constant 64 : index
      %get3A_476 = tpu.vector_load %arg10[%get3A_473, %get3A_474, %get3A_475] {strides = array<i32>} : memref<2x128x128xf32, #tpu.memory_space<vmem>>, vector<1x1x16xf32>,
      %get3A_477 = vector.shape_cast %get3A_476 : vector<1x1x16xf32> to vector<16xf32>
      %sub3A_478 = arith.subf %get3A_465, %get3A_471 : vector<16xf32>
      %mul3A_479 = arith.mulf %get3A_477, %sub3A_478 : vector<16xf32>
      %mul3A_480 = arith.mulf %mul3A_479, %sub3A_478 : vector<16xf32>
      %add3A_481 = arith.addf %scan3A_370, %mul3A_480 : vector<16xf32>
      %get3A_482 = arith.constant 0 : i32
      %get3A_483 = arith.index_cast %get3A_482 : i32 to index
      %get3A_484 = arith.index_cast %scan3A_365 : i32 to index
      %get3A_485 = arith.constant 80 : index
      %get3A_486 = tpu.vector_load %arg9[%get3A_483, %get3A_484, %get3A_485] {strides = array<i32>} : memref<2x128x128xf32, #tpu.memory_space<vmem>>, vector<1x1x16xf32>,
      %get3A_487 = vector.shape_cast %get3A_486 : vector<1x1x16xf32> to vector<16xf32>
      %get3A_488 = arith.constant 0 : i32
      %get3A_489 = arith.index_cast %get3A_488 : i32 to index
      %get3A_490 = arith.index_cast %scan3A_365 : i32 to index
      %get3A_491 = arith.constant 80 : index
      %get3A_492 = tpu.vector_load %arg8[%get3A_489, %get3A_490, %get3A_491] {strides = array<i32>} : memref<2x128x128xf32, #tpu.memory_space<vmem>>, vector<1x1x16xf32>,
      %get3A_493 = vector.shape_cast %get3A_492 : vector<1x1x16xf32> to vector<16xf32>
      %get3A_494 = arith.constant 0 : i32
      %get3A_495 = arith.index_cast %get3A_494 : i32 to index
      %get3A_496 = arith.index_cast %scan3A_365 : i32 to index
      %get3A_497 = arith.constant 80 : index
      %get3A_498 = tpu.vector_load %arg10[%get3A_495, %get3A_496, %get3A_497] {strides = array<i32>} : memref<2x128x128xf32, #tpu.memory_space<vmem>>, vector<1x1x16xf32>,
      %get3A_499 = vector.shape_cast %get3A_498 : vector<1x1x16xf32> to vector<16xf32>
      %sub3A_500 = arith.subf %get3A_487, %get3A_493 : vector<16xf32>
      %mul3A_501 = arith.mulf %get3A_499, %sub3A_500 : vector<16xf32>
      %mul3A_502 = arith.mulf %mul3A_501, %sub3A_500 : vector<16xf32>
      %add3A_503 = arith.addf %scan3A_371, %mul3A_502 : vector<16xf32>
      %get3A_504 = arith.constant 0 : i32
      %get3A_505 = arith.index_cast %get3A_504 : i32 to index
      %get3A_506 = arith.index_cast %scan3A_365 : i32 to index
      %get3A_507 = arith.constant 96 : index
      %get3A_508 = tpu.vector_load %arg9[%get3A_505, %get3A_506, %get3A_507] {strides = array<i32>} : memref<2x128x128xf32, #tpu.memory_space<vmem>>, vector<1x1x16xf32>,
      %get3A_509 = vector.shape_cast %get3A_508 : vector<1x1x16xf32> to vector<16xf32>
      %get3A_510 = arith.constant 0 : i32
      %get3A_511 = arith.index_cast %get3A_510 : i32 to index
      %get3A_512 = arith.index_cast %scan3A_365 : i32 to index
      %get3A_513 = arith.constant 96 : index
      %get3A_514 = tpu.vector_load %arg8[%get3A_511, %get3A_512, %get3A_513] {strides = array<i32>} : memref<2x128x128xf32, #tpu.memory_space<vmem>>, vector<1x1x16xf32>,
      %get3A_515 = vector.shape_cast %get3A_514 : vector<1x1x16xf32> to vector<16xf32>
      %get3A_516 = arith.constant 0 : i32
      %get3A_517 = arith.index_cast %get3A_516 : i32 to index
      %get3A_518 = arith.index_cast %scan3A_365 : i32 to index
      %get3A_519 = arith.constant 96 : index
      %get3A_520 = tpu.vector_load %arg10[%get3A_517, %get3A_518, %get3A_519] {strides = array<i32>} : memref<2x128x128xf32, #tpu.memory_space<vmem>>, vector<1x1x16xf32>,
      %get3A_521 = vector.shape_cast %get3A_520 : vector<1x1x16xf32> to vector<16xf32>
      %sub3A_522 = arith.subf %get3A_509, %get3A_515 : vector<16xf32>
      %mul3A_523 = arith.mulf %get3A_521, %sub3A_522 : vector<16xf32>
      %mul3A_524 = arith.mulf %mul3A_523, %sub3A_522 : vector<16xf32>
      %add3A_525 = arith.addf %scan3A_372, %mul3A_524 : vector<16xf32>
      %get3A_526 = arith.constant 0 : i32
      %get3A_527 = arith.index_cast %get3A_526 : i32 to index
      %get3A_528 = arith.index_cast %scan3A_365 : i32 to index
      %get3A_529 = arith.constant 112 : index
      %get3A_530 = tpu.vector_load %arg9[%get3A_527, %get3A_528, %get3A_529] {strides = array<i32>} : memref<2x128x128xf32, #tpu.memory_space<vmem>>, vector<1x1x16xf32>,
      %get3A_531 = vector.shape_cast %get3A_530 : vector<1x1x16xf32> to vector<16xf32>
      %get3A_532 = arith.constant 0 : i32
      %get3A_533 = arith.index_cast %get3A_532 : i32 to index
      %get3A_534 = arith.index_cast %scan3A_365 : i32 to index
      %get3A_535 = arith.constant 112 : index
      %get3A_536 = tpu.vector_load %arg8[%get3A_533, %get3A_534, %get3A_535] {strides = array<i32>} : memref<2x128x128xf32, #tpu.memory_space<vmem>>, vector<1x1x16xf32>,
      %get3A_537 = vector.shape_cast %get3A_536 : vector<1x1x16xf32> to vector<16xf32>
      %get3A_538 = arith.constant 0 : i32
      %get3A_539 = arith.index_cast %get3A_538 : i32 to index
      %get3A_540 = arith.index_cast %scan3A_365 : i32 to index
      %get3A_541 = arith.constant 112 : index
      %get3A_542 = tpu.vector_load %arg10[%get3A_539, %get3A_540, %get3A_541] {strides = array<i32>} : memref<2x128x128xf32, #tpu.memory_space<vmem>>, vector<1x1x16xf32>,
      %get3A_543 = vector.shape_cast %get3A_542 : vector<1x1x16xf32> to vector<16xf32>
      %sub3A_544 = arith.subf %get3A_531, %get3A_537 : vector<16xf32>
      %mul3A_545 = arith.mulf %get3A_543, %sub3A_544 : vector<16xf32>
      %mul3A_546 = arith.mulf %mul3A_545, %sub3A_544 : vector<16xf32>
      %add3A_547 = arith.addf %scan3A_373, %mul3A_546 : vector<16xf32>
      scf.yield %add3A_393, %add3A_415, %add3A_437, %add3A_459, %add3A_481, %add3A_503, %add3A_525, %add3A_547 : vector<16xf32>, vector<16xf32>, vector<16xf32>, vector<16xf32>, vector<16xf32>, vector<16xf32>, vector<16xf32>, vector<16xf32>
    }
    %scan3A_140 = arith.constant 128 : i32
    %dma_start3A_141 = arith.constant 2 : i32
    %dma_start3A_142 = arith.constant 0 : i32
    %dma_start3A_143 = arith.constant 0 : i32
    %dma_start3A_144 = arith.constant 0 : i32
    %dma_start3A_145 = tpu.memref_slice %arg8[%dma_start3A_142, %dma_start3A_143, %dma_start3A_144] : memref<2x128x128xf32, #tpu.memory_space<vmem>> -> memref<1x128x128xf32, #tpu.memory_space<vmem>>
    %dma_start3A_146 = tpu.memref_squeeze %dma_start3A_145 : memref<1x128x128xf32, #tpu.memory_space<vmem>> -> memref<128x128xf32, #tpu.memory_space<vmem>>
    %dma_start3A_147 = arith.constant 0 : i32
    %dma_start3A_148 = tpu.memref_slice %arg7[%dma_start3A_141, %dma_start3A_147] : memref<4x128xi32, #tpu.memory_space<vmem>> -> memref<1x128xi32, #tpu.memory_space<vmem>>
    %dma_start3A_149 = tpu.memref_squeeze %dma_start3A_148 : memref<1x128xi32, #tpu.memory_space<vmem>> -> memref<128xi32, #tpu.memory_space<vmem>>
    %dma_start3A_150 = arith.constant 0 : i32
    %dma_start3A_151 = arith.constant 0 : i32
    %dma_start3A_152 = tpu.memref_slice %arg5[%dma_start3A_150, %dma_start3A_151] : memref<100000x128xf32, #tpu.memory_space<hbm>> -> memref<100000x128xf32, #tpu.memory_space<hbm>>
    tpu.enqueue_indirect_dma source(%dma_start3A_152 : memref<100000x128xf32, #tpu.memory_space<hbm>>) target(%dma_start3A_146 : memref<128x128xf32, #tpu.memory_space<vmem>>) offsets(%dma_start3A_149 : memref<128xi32, #tpu.memory_space<vmem>>) semaphore(%arg12 : memref<!tpu.dma_semaphore, #tpu.memory_space<semaphore_mem>>)
    %add3A_153 = arith.constant 256 : i32
    %add3A_154 = arith.addi %mul3A_2, %add3A_153 : i32
    %dma_start3A_155 = arith.constant 0 : i32
    %dma_start3A_156 = arith.constant 0 : i32
    %dma_start3A_157 = arith.constant 0 : i32
    %dma_start3A_158 = tpu.memref_slice %arg9[%dma_start3A_155, %dma_start3A_156, %dma_start3A_157] : memref<2x128x128xf32, #tpu.memory_space<vmem>> -> memref<1x128x128xf32, #tpu.memory_space<vmem>>
    %dma_start3A_159 = tpu.memref_squeeze %dma_start3A_158 : memref<1x128x128xf32, #tpu.memory_space<vmem>> -> memref<128x128xf32, #tpu.memory_space<vmem>>
    %dma_start3A_160 = arith.constant 0 : i32
    %dma_start3A_161 = tpu.memref_slice %arg2[%add3A_154, %dma_start3A_160] : memref<16384x128xf32, #tpu.memory_space<hbm>> -> memref<128x128xf32, #tpu.memory_space<hbm>>
    %dma_start3A_162 = arith.constant 0 : i32
    %dma_start3A_163 = arith.constant 0 : i32
    %dma_start3A_164 = tpu.memref_slice %arg9[%dma_start3A_155, %dma_start3A_162, %dma_start3A_163] : memref<2x128x128xf32, #tpu.memory_space<vmem>> -> memref<1x128x128xf32, #tpu.memory_space<vmem>>
    %dma_start3A_165 = tpu.memref_squeeze %dma_start3A_164 : memref<1x128x128xf32, #tpu.memory_space<vmem>> -> memref<128x128xf32, #tpu.memory_space<vmem>>
    %dma_start3A_166 = arith.constant 0 : i32
    %dma_start3A_167 = tpu.memref_slice %arg2[%add3A_154, %dma_start3A_166] : memref<16384x128xf32, #tpu.memory_space<hbm>> -> memref<128x128xf32, #tpu.memory_space<hbm>>
    tpu.enqueue_dma source(%dma_start3A_167 : memref<128x128xf32, #tpu.memory_space<hbm>>) target(%dma_start3A_165 : memref<128x128xf32, #tpu.memory_space<vmem>>) target_semaphore(%arg13 : memref<!tpu.dma_semaphore, #tpu.memory_space<semaphore_mem>>)
    %dma_start3A_168 = arith.constant 0 : i32
    %dma_start3A_169 = arith.constant 0 : i32
    %dma_start3A_170 = arith.constant 0 : i32
    %dma_start3A_171 = tpu.memref_slice %arg10[%dma_start3A_168, %dma_start3A_169, %dma_start3A_170] : memref<2x128x128xf32, #tpu.memory_space<vmem>> -> memref<1x128x128xf32, #tpu.memory_space<vmem>>
    %dma_start3A_172 = tpu.memref_squeeze %dma_start3A_171 : memref<1x128x128xf32, #tpu.memory_space<vmem>> -> memref<128x128xf32, #tpu.memory_space<vmem>>
    %dma_start3A_173 = arith.constant 0 : i32
    %dma_start3A_174 = tpu.memref_slice %arg3[%add3A_154, %dma_start3A_173] : memref<16384x128xf32, #tpu.memory_space<hbm>> -> memref<128x128xf32, #tpu.memory_space<hbm>>
    %dma_start3A_175 = arith.constant 0 : i32
    %dma_start3A_176 = arith.constant 0 : i32
    %dma_start3A_177 = tpu.memref_slice %arg10[%dma_start3A_168, %dma_start3A_175, %dma_start3A_176] : memref<2x128x128xf32, #tpu.memory_space<vmem>> -> memref<1x128x128xf32, #tpu.memory_space<vmem>>
    %dma_start3A_178 = tpu.memref_squeeze %dma_start3A_177 : memref<1x128x128xf32, #tpu.memory_space<vmem>> -> memref<128x128xf32, #tpu.memory_space<vmem>>
    %dma_start3A_179 = arith.constant 0 : i32
    %dma_start3A_180 = tpu.memref_slice %arg3[%add3A_154, %dma_start3A_179] : memref<16384x128xf32, #tpu.memory_space<hbm>> -> memref<128x128xf32, #tpu.memory_space<hbm>>
    tpu.enqueue_dma source(%dma_start3A_180 : memref<128x128xf32, #tpu.memory_space<hbm>>) target(%dma_start3A_178 : memref<128x128xf32, #tpu.memory_space<vmem>>) target_semaphore(%arg14 : memref<!tpu.dma_semaphore, #tpu.memory_space<semaphore_mem>>)
    %dma_wait3A_181 = arith.constant 1 : i32
    %dma_wait3A_182 = arith.constant 1 : i32
    %dma_wait3A_183 = arith.constant 0 : i32
    %dma_wait3A_184 = arith.constant 0 : i32
    %dma_wait3A_185 = tpu.memref_slice %arg8[%dma_wait3A_182, %dma_wait3A_183, %dma_wait3A_184] : memref<2x128x128xf32, #tpu.memory_space<vmem>> -> memref<1x128x128xf32, #tpu.memory_space<vmem>>
    %dma_wait3A_186 = tpu.memref_squeeze %dma_wait3A_185 : memref<1x128x128xf32, #tpu.memory_space<vmem>> -> memref<128x128xf32, #tpu.memory_space<vmem>>
    %dma_wait3A_187 = arith.constant 0 : i32
    %dma_wait3A_188 = tpu.memref_slice %arg7[%dma_wait3A_181, %dma_wait3A_187] : memref<4x128xi32, #tpu.memory_space<vmem>> -> memref<1x128xi32, #tpu.memory_space<vmem>>
    %dma_wait3A_189 = tpu.memref_squeeze %dma_wait3A_188 : memref<1x128xi32, #tpu.memory_space<vmem>> -> memref<128xi32, #tpu.memory_space<vmem>>
    %dma_wait3A_190 = arith.constant 0 : i32
    %dma_wait3A_191 = arith.constant 0 : i32
    %dma_wait3A_192 = tpu.memref_slice %arg5[%dma_wait3A_190, %dma_wait3A_191] : memref<100000x128xf32, #tpu.memory_space<hbm>> -> memref<100000x128xf32, #tpu.memory_space<hbm>>
    tpu.wait_indirect_dma semaphore(%arg15 : memref<!tpu.dma_semaphore, #tpu.memory_space<semaphore_mem>>) src(%dma_wait3A_192 : memref<100000x128xf32, #tpu.memory_space<hbm>>) dst(%dma_wait3A_186 : memref<128x128xf32, #tpu.memory_space<vmem>>)
    %dma_wait3A_193 = arith.constant 1 : i32
    %dma_wait3A_194 = arith.constant 0 : i32
    %dma_wait3A_195 = arith.constant 0 : i32
    %dma_wait3A_196 = tpu.memref_slice %arg9[%dma_wait3A_193, %dma_wait3A_194, %dma_wait3A_195] : memref<2x128x128xf32, #tpu.memory_space<vmem>> -> memref<1x128x128xf32, #tpu.memory_space<vmem>>
    %dma_wait3A_197 = tpu.memref_squeeze %dma_wait3A_196 : memref<1x128x128xf32, #tpu.memory_space<vmem>> -> memref<128x128xf32, #tpu.memory_space<vmem>>
    %dma_wait3A_198 = arith.constant 0 : i32
    %dma_wait3A_199 = tpu.memref_slice %arg2[%add3A_72, %dma_wait3A_198] : memref<16384x128xf32, #tpu.memory_space<hbm>> -> memref<128x128xf32, #tpu.memory_space<hbm>>
    %dma_wait3A_200 = arith.constant 0 : i32
    %dma_wait3A_201 = arith.constant 0 : i32
    %dma_wait3A_202 = tpu.memref_slice %arg9[%dma_wait3A_193, %dma_wait3A_200, %dma_wait3A_201] : memref<2x128x128xf32, #tpu.memory_space<vmem>> -> memref<1x128x128xf32, #tpu.memory_space<vmem>>
    %dma_wait3A_203 = tpu.memref_squeeze %dma_wait3A_202 : memref<1x128x128xf32, #tpu.memory_space<vmem>> -> memref<128x128xf32, #tpu.memory_space<vmem>>
    %dma_wait3A_204 = arith.constant 0 : i32
    %dma_wait3A_205 = tpu.memref_slice %arg2[%add3A_72, %dma_wait3A_204] : memref<16384x128xf32, #tpu.memory_space<hbm>> -> memref<128x128xf32, #tpu.memory_space<hbm>>
    tpu.wait_dma2 semaphore(%arg16 : memref<!tpu.dma_semaphore, #tpu.memory_space<semaphore_mem>>) src(%dma_wait3A_205 : memref<128x128xf32, #tpu.memory_space<hbm>>) dst(%dma_wait3A_203 : memref<128x128xf32, #tpu.memory_space<vmem>>)
    %dma_wait3A_206 = arith.constant 1 : i32
    %dma_wait3A_207 = arith.constant 0 : i32
    %dma_wait3A_208 = arith.constant 0 : i32
    %dma_wait3A_209 = tpu.memref_slice %arg10[%dma_wait3A_206, %dma_wait3A_207, %dma_wait3A_208] : memref<2x128x128xf32, #tpu.memory_space<vmem>> -> memref<1x128x128xf32, #tpu.memory_space<vmem>>
    %dma_wait3A_210 = tpu.memref_squeeze %dma_wait3A_209 : memref<1x128x128xf32, #tpu.memory_space<vmem>> -> memref<128x128xf32, #tpu.memory_space<vmem>>
    %dma_wait3A_211 = arith.constant 0 : i32
    %dma_wait3A_212 = tpu.memref_slice %arg3[%add3A_72, %dma_wait3A_211] : memref<16384x128xf32, #tpu.memory_space<hbm>> -> memref<128x128xf32, #tpu.memory_space<hbm>>
    %dma_wait3A_213 = arith.constant 0 : i32
    %dma_wait3A_214 = arith.constant 0 : i32
    %dma_wait3A_215 = tpu.memref_slice %arg10[%dma_wait3A_206, %dma_wait3A_213, %dma_wait3A_214] : memref<2x128x128xf32, #tpu.memory_space<vmem>> -> memref<1x128x128xf32, #tpu.memory_space<vmem>>
    %dma_wait3A_216 = tpu.memref_squeeze %dma_wait3A_215 : memref<1x128x128xf32, #tpu.memory_space<vmem>> -> memref<128x128xf32, #tpu.memory_space<vmem>>
    %dma_wait3A_217 = arith.constant 0 : i32
    %dma_wait3A_218 = tpu.memref_slice %arg3[%add3A_72, %dma_wait3A_217] : memref<16384x128xf32, #tpu.memory_space<hbm>> -> memref<128x128xf32, #tpu.memory_space<hbm>>
    tpu.wait_dma2 semaphore(%arg17 : memref<!tpu.dma_semaphore, #tpu.memory_space<semaphore_mem>>) src(%dma_wait3A_218 : memref<128x128xf32, #tpu.memory_space<hbm>>) dst(%dma_wait3A_216 : memref<128x128xf32, #tpu.memory_space<vmem>>)
    %scan3A_219 = arith.constant 0 : i32
    %scan3A_220 = arith.constant 128 : i32
    %scan3A_221 = arith.addi %scan3A_219, %scan3A_220 : i32
    %scan3A_222 = arith.constant 1 : i32
    %scan3A_223:8 = scf.for %scan3A_365 = %scan3A_219 to %scan3A_221 step %scan3A_222 iter_args(%scan3A_366 = %scan3A_139#0, %scan3A_367 = %scan3A_139#1, %scan3A_368 = %scan3A_139#2, %scan3A_369 = %scan3A_139#3, %scan3A_370 = %scan3A_139#4, %scan3A_371 = %scan3A_139#5, %scan3A_372 = %scan3A_139#6, %scan3A_373 = %scan3A_139#7) -> (vector<16xf32>, vector<16xf32>, vector<16xf32>, vector<16xf32>, vector<16xf32>, vector<16xf32>, vector<16xf32>, vector<16xf32>)  : i32 {
      %get3A = arith.constant 1 : i32
      %get3A_374 = arith.index_cast %get3A : i32 to index
      %get3A_375 = arith.index_cast %scan3A_365 : i32 to index
      %get3A_376 = arith.constant 0 : index
      %get3A_377 = tpu.vector_load %arg9[%get3A_374, %get3A_375, %get3A_376] {strides = array<i32>} : memref<2x128x128xf32, #tpu.memory_space<vmem>>, vector<1x1x16xf32>,
      %get3A_378 = vector.shape_cast %get3A_377 : vector<1x1x16xf32> to vector<16xf32>
      %get3A_379 = arith.constant 1 : i32
      %get3A_380 = arith.index_cast %get3A_379 : i32 to index
      %get3A_381 = arith.index_cast %scan3A_365 : i32 to index
      %get3A_382 = arith.constant 0 : index
      %get3A_383 = tpu.vector_load %arg8[%get3A_380, %get3A_381, %get3A_382] {strides = array<i32>} : memref<2x128x128xf32, #tpu.memory_space<vmem>>, vector<1x1x16xf32>,
      %get3A_384 = vector.shape_cast %get3A_383 : vector<1x1x16xf32> to vector<16xf32>
      %get3A_385 = arith.constant 1 : i32
      %get3A_386 = arith.index_cast %get3A_385 : i32 to index
      %get3A_387 = arith.index_cast %scan3A_365 : i32 to index
      %get3A_388 = arith.constant 0 : index
      %get3A_389 = tpu.vector_load %arg10[%get3A_386, %get3A_387, %get3A_388] {strides = array<i32>} : memref<2x128x128xf32, #tpu.memory_space<vmem>>, vector<1x1x16xf32>,
      %get3A_390 = vector.shape_cast %get3A_389 : vector<1x1x16xf32> to vector<16xf32>
      %sub3A = arith.subf %get3A_378, %get3A_384 : vector<16xf32>
      %mul3A_391 = arith.mulf %get3A_390, %sub3A : vector<16xf32>
      %mul3A_392 = arith.mulf %mul3A_391, %sub3A : vector<16xf32>
      %add3A_393 = arith.addf %scan3A_366, %mul3A_392 : vector<16xf32>
      %get3A_394 = arith.constant 1 : i32
      %get3A_395 = arith.index_cast %get3A_394 : i32 to index
      %get3A_396 = arith.index_cast %scan3A_365 : i32 to index
      %get3A_397 = arith.constant 16 : index
      %get3A_398 = tpu.vector_load %arg9[%get3A_395, %get3A_396, %get3A_397] {strides = array<i32>} : memref<2x128x128xf32, #tpu.memory_space<vmem>>, vector<1x1x16xf32>,
      %get3A_399 = vector.shape_cast %get3A_398 : vector<1x1x16xf32> to vector<16xf32>
      %get3A_400 = arith.constant 1 : i32
      %get3A_401 = arith.index_cast %get3A_400 : i32 to index
      %get3A_402 = arith.index_cast %scan3A_365 : i32 to index
      %get3A_403 = arith.constant 16 : index
      %get3A_404 = tpu.vector_load %arg8[%get3A_401, %get3A_402, %get3A_403] {strides = array<i32>} : memref<2x128x128xf32, #tpu.memory_space<vmem>>, vector<1x1x16xf32>,
      %get3A_405 = vector.shape_cast %get3A_404 : vector<1x1x16xf32> to vector<16xf32>
      %get3A_406 = arith.constant 1 : i32
      %get3A_407 = arith.index_cast %get3A_406 : i32 to index
      %get3A_408 = arith.index_cast %scan3A_365 : i32 to index
      %get3A_409 = arith.constant 16 : index
      %get3A_410 = tpu.vector_load %arg10[%get3A_407, %get3A_408, %get3A_409] {strides = array<i32>} : memref<2x128x128xf32, #tpu.memory_space<vmem>>, vector<1x1x16xf32>,
      %get3A_411 = vector.shape_cast %get3A_410 : vector<1x1x16xf32> to vector<16xf32>
      %sub3A_412 = arith.subf %get3A_399, %get3A_405 : vector<16xf32>
      %mul3A_413 = arith.mulf %get3A_411, %sub3A_412 : vector<16xf32>
      %mul3A_414 = arith.mulf %mul3A_413, %sub3A_412 : vector<16xf32>
      %add3A_415 = arith.addf %scan3A_367, %mul3A_414 : vector<16xf32>
      %get3A_416 = arith.constant 1 : i32
      %get3A_417 = arith.index_cast %get3A_416 : i32 to index
      %get3A_418 = arith.index_cast %scan3A_365 : i32 to index
      %get3A_419 = arith.constant 32 : index
      %get3A_420 = tpu.vector_load %arg9[%get3A_417, %get3A_418, %get3A_419] {strides = array<i32>} : memref<2x128x128xf32, #tpu.memory_space<vmem>>, vector<1x1x16xf32>,
      %get3A_421 = vector.shape_cast %get3A_420 : vector<1x1x16xf32> to vector<16xf32>
      %get3A_422 = arith.constant 1 : i32
      %get3A_423 = arith.index_cast %get3A_422 : i32 to index
      %get3A_424 = arith.index_cast %scan3A_365 : i32 to index
      %get3A_425 = arith.constant 32 : index
      %get3A_426 = tpu.vector_load %arg8[%get3A_423, %get3A_424, %get3A_425] {strides = array<i32>} : memref<2x128x128xf32, #tpu.memory_space<vmem>>, vector<1x1x16xf32>,
      %get3A_427 = vector.shape_cast %get3A_426 : vector<1x1x16xf32> to vector<16xf32>
      %get3A_428 = arith.constant 1 : i32
      %get3A_429 = arith.index_cast %get3A_428 : i32 to index
      %get3A_430 = arith.index_cast %scan3A_365 : i32 to index
      %get3A_431 = arith.constant 32 : index
      %get3A_432 = tpu.vector_load %arg10[%get3A_429, %get3A_430, %get3A_431] {strides = array<i32>} : memref<2x128x128xf32, #tpu.memory_space<vmem>>, vector<1x1x16xf32>,
      %get3A_433 = vector.shape_cast %get3A_432 : vector<1x1x16xf32> to vector<16xf32>
      %sub3A_434 = arith.subf %get3A_421, %get3A_427 : vector<16xf32>
      %mul3A_435 = arith.mulf %get3A_433, %sub3A_434 : vector<16xf32>
      %mul3A_436 = arith.mulf %mul3A_435, %sub3A_434 : vector<16xf32>
      %add3A_437 = arith.addf %scan3A_368, %mul3A_436 : vector<16xf32>
      %get3A_438 = arith.constant 1 : i32
      %get3A_439 = arith.index_cast %get3A_438 : i32 to index
      %get3A_440 = arith.index_cast %scan3A_365 : i32 to index
      %get3A_441 = arith.constant 48 : index
      %get3A_442 = tpu.vector_load %arg9[%get3A_439, %get3A_440, %get3A_441] {strides = array<i32>} : memref<2x128x128xf32, #tpu.memory_space<vmem>>, vector<1x1x16xf32>,
      %get3A_443 = vector.shape_cast %get3A_442 : vector<1x1x16xf32> to vector<16xf32>
      %get3A_444 = arith.constant 1 : i32
      %get3A_445 = arith.index_cast %get3A_444 : i32 to index
      %get3A_446 = arith.index_cast %scan3A_365 : i32 to index
      %get3A_447 = arith.constant 48 : index
      %get3A_448 = tpu.vector_load %arg8[%get3A_445, %get3A_446, %get3A_447] {strides = array<i32>} : memref<2x128x128xf32, #tpu.memory_space<vmem>>, vector<1x1x16xf32>,
      %get3A_449 = vector.shape_cast %get3A_448 : vector<1x1x16xf32> to vector<16xf32>
      %get3A_450 = arith.constant 1 : i32
      %get3A_451 = arith.index_cast %get3A_450 : i32 to index
      %get3A_452 = arith.index_cast %scan3A_365 : i32 to index
      %get3A_453 = arith.constant 48 : index
      %get3A_454 = tpu.vector_load %arg10[%get3A_451, %get3A_452, %get3A_453] {strides = array<i32>} : memref<2x128x128xf32, #tpu.memory_space<vmem>>, vector<1x1x16xf32>,
      %get3A_455 = vector.shape_cast %get3A_454 : vector<1x1x16xf32> to vector<16xf32>
      %sub3A_456 = arith.subf %get3A_443, %get3A_449 : vector<16xf32>
      %mul3A_457 = arith.mulf %get3A_455, %sub3A_456 : vector<16xf32>
      %mul3A_458 = arith.mulf %mul3A_457, %sub3A_456 : vector<16xf32>
      %add3A_459 = arith.addf %scan3A_369, %mul3A_458 : vector<16xf32>
      %get3A_460 = arith.constant 1 : i32
      %get3A_461 = arith.index_cast %get3A_460 : i32 to index
      %get3A_462 = arith.index_cast %scan3A_365 : i32 to index
      %get3A_463 = arith.constant 64 : index
      %get3A_464 = tpu.vector_load %arg9[%get3A_461, %get3A_462, %get3A_463] {strides = array<i32>} : memref<2x128x128xf32, #tpu.memory_space<vmem>>, vector<1x1x16xf32>,
      %get3A_465 = vector.shape_cast %get3A_464 : vector<1x1x16xf32> to vector<16xf32>
      %get3A_466 = arith.constant 1 : i32
      %get3A_467 = arith.index_cast %get3A_466 : i32 to index
      %get3A_468 = arith.index_cast %scan3A_365 : i32 to index
      %get3A_469 = arith.constant 64 : index
      %get3A_470 = tpu.vector_load %arg8[%get3A_467, %get3A_468, %get3A_469] {strides = array<i32>} : memref<2x128x128xf32, #tpu.memory_space<vmem>>, vector<1x1x16xf32>,
      %get3A_471 = vector.shape_cast %get3A_470 : vector<1x1x16xf32> to vector<16xf32>
      %get3A_472 = arith.constant 1 : i32
      %get3A_473 = arith.index_cast %get3A_472 : i32 to index
      %get3A_474 = arith.index_cast %scan3A_365 : i32 to index
      %get3A_475 = arith.constant 64 : index
      %get3A_476 = tpu.vector_load %arg10[%get3A_473, %get3A_474, %get3A_475] {strides = array<i32>} : memref<2x128x128xf32, #tpu.memory_space<vmem>>, vector<1x1x16xf32>,
      %get3A_477 = vector.shape_cast %get3A_476 : vector<1x1x16xf32> to vector<16xf32>
      %sub3A_478 = arith.subf %get3A_465, %get3A_471 : vector<16xf32>
      %mul3A_479 = arith.mulf %get3A_477, %sub3A_478 : vector<16xf32>
      %mul3A_480 = arith.mulf %mul3A_479, %sub3A_478 : vector<16xf32>
      %add3A_481 = arith.addf %scan3A_370, %mul3A_480 : vector<16xf32>
      %get3A_482 = arith.constant 1 : i32
      %get3A_483 = arith.index_cast %get3A_482 : i32 to index
      %get3A_484 = arith.index_cast %scan3A_365 : i32 to index
      %get3A_485 = arith.constant 80 : index
      %get3A_486 = tpu.vector_load %arg9[%get3A_483, %get3A_484, %get3A_485] {strides = array<i32>} : memref<2x128x128xf32, #tpu.memory_space<vmem>>, vector<1x1x16xf32>,
      %get3A_487 = vector.shape_cast %get3A_486 : vector<1x1x16xf32> to vector<16xf32>
      %get3A_488 = arith.constant 1 : i32
      %get3A_489 = arith.index_cast %get3A_488 : i32 to index
      %get3A_490 = arith.index_cast %scan3A_365 : i32 to index
      %get3A_491 = arith.constant 80 : index
      %get3A_492 = tpu.vector_load %arg8[%get3A_489, %get3A_490, %get3A_491] {strides = array<i32>} : memref<2x128x128xf32, #tpu.memory_space<vmem>>, vector<1x1x16xf32>,
      %get3A_493 = vector.shape_cast %get3A_492 : vector<1x1x16xf32> to vector<16xf32>
      %get3A_494 = arith.constant 1 : i32
      %get3A_495 = arith.index_cast %get3A_494 : i32 to index
      %get3A_496 = arith.index_cast %scan3A_365 : i32 to index
      %get3A_497 = arith.constant 80 : index
      %get3A_498 = tpu.vector_load %arg10[%get3A_495, %get3A_496, %get3A_497] {strides = array<i32>} : memref<2x128x128xf32, #tpu.memory_space<vmem>>, vector<1x1x16xf32>,
      %get3A_499 = vector.shape_cast %get3A_498 : vector<1x1x16xf32> to vector<16xf32>
      %sub3A_500 = arith.subf %get3A_487, %get3A_493 : vector<16xf32>
      %mul3A_501 = arith.mulf %get3A_499, %sub3A_500 : vector<16xf32>
      %mul3A_502 = arith.mulf %mul3A_501, %sub3A_500 : vector<16xf32>
      %add3A_503 = arith.addf %scan3A_371, %mul3A_502 : vector<16xf32>
      %get3A_504 = arith.constant 1 : i32
      %get3A_505 = arith.index_cast %get3A_504 : i32 to index
      %get3A_506 = arith.index_cast %scan3A_365 : i32 to index
      %get3A_507 = arith.constant 96 : index
      %get3A_508 = tpu.vector_load %arg9[%get3A_505, %get3A_506, %get3A_507] {strides = array<i32>} : memref<2x128x128xf32, #tpu.memory_space<vmem>>, vector<1x1x16xf32>,
      %get3A_509 = vector.shape_cast %get3A_508 : vector<1x1x16xf32> to vector<16xf32>
      %get3A_510 = arith.constant 1 : i32
      %get3A_511 = arith.index_cast %get3A_510 : i32 to index
      %get3A_512 = arith.index_cast %scan3A_365 : i32 to index
      %get3A_513 = arith.constant 96 : index
      %get3A_514 = tpu.vector_load %arg8[%get3A_511, %get3A_512, %get3A_513] {strides = array<i32>} : memref<2x128x128xf32, #tpu.memory_space<vmem>>, vector<1x1x16xf32>,
      %get3A_515 = vector.shape_cast %get3A_514 : vector<1x1x16xf32> to vector<16xf32>
      %get3A_516 = arith.constant 1 : i32
      %get3A_517 = arith.index_cast %get3A_516 : i32 to index
      %get3A_518 = arith.index_cast %scan3A_365 : i32 to index
      %get3A_519 = arith.constant 96 : index
      %get3A_520 = tpu.vector_load %arg10[%get3A_517, %get3A_518, %get3A_519] {strides = array<i32>} : memref<2x128x128xf32, #tpu.memory_space<vmem>>, vector<1x1x16xf32>,
      %get3A_521 = vector.shape_cast %get3A_520 : vector<1x1x16xf32> to vector<16xf32>
      %sub3A_522 = arith.subf %get3A_509, %get3A_515 : vector<16xf32>
      %mul3A_523 = arith.mulf %get3A_521, %sub3A_522 : vector<16xf32>
      %mul3A_524 = arith.mulf %mul3A_523, %sub3A_522 : vector<16xf32>
      %add3A_525 = arith.addf %scan3A_372, %mul3A_524 : vector<16xf32>
      %get3A_526 = arith.constant 1 : i32
      %get3A_527 = arith.index_cast %get3A_526 : i32 to index
      %get3A_528 = arith.index_cast %scan3A_365 : i32 to index
      %get3A_529 = arith.constant 112 : index
      %get3A_530 = tpu.vector_load %arg9[%get3A_527, %get3A_528, %get3A_529] {strides = array<i32>} : memref<2x128x128xf32, #tpu.memory_space<vmem>>, vector<1x1x16xf32>,
      %get3A_531 = vector.shape_cast %get3A_530 : vector<1x1x16xf32> to vector<16xf32>
      %get3A_532 = arith.constant 1 : i32
      %get3A_533 = arith.index_cast %get3A_532 : i32 to index
      %get3A_534 = arith.index_cast %scan3A_365 : i32 to index
      %get3A_535 = arith.constant 112 : index
      %get3A_536 = tpu.vector_load %arg8[%get3A_533, %get3A_534, %get3A_535] {strides = array<i32>} : memref<2x128x128xf32, #tpu.memory_space<vmem>>, vector<1x1x16xf32>,
      %get3A_537 = vector.shape_cast %get3A_536 : vector<1x1x16xf32> to vector<16xf32>
      %get3A_538 = arith.constant 1 : i32
      %get3A_539 = arith.index_cast %get3A_538 : i32 to index
      %get3A_540 = arith.index_cast %scan3A_365 : i32 to index
      %get3A_541 = arith.constant 112 : index
      %get3A_542 = tpu.vector_load %arg10[%get3A_539, %get3A_540, %get3A_541] {strides = array<i32>} : memref<2x128x128xf32, #tpu.memory_space<vmem>>, vector<1x1x16xf32>,
      %get3A_543 = vector.shape_cast %get3A_542 : vector<1x1x16xf32> to vector<16xf32>
      %sub3A_544 = arith.subf %get3A_531, %get3A_537 : vector<16xf32>
      %mul3A_545 = arith.mulf %get3A_543, %sub3A_544 : vector<16xf32>
      %mul3A_546 = arith.mulf %mul3A_545, %sub3A_544 : vector<16xf32>
      %add3A_547 = arith.addf %scan3A_373, %mul3A_546 : vector<16xf32>
      scf.yield %add3A_393, %add3A_415, %add3A_437, %add3A_459, %add3A_481, %add3A_503, %add3A_525, %add3A_547 : vector<16xf32>, vector<16xf32>, vector<16xf32>, vector<16xf32>, vector<16xf32>, vector<16xf32>, vector<16xf32>, vector<16xf32>
    }
    %scan3A_224 = arith.constant 128 : i32
    %dma_start3A_225 = arith.constant 3 : i32
    %dma_start3A_226 = arith.constant 1 : i32
    %dma_start3A_227 = arith.constant 0 : i32
    %dma_start3A_228 = arith.constant 0 : i32
    %dma_start3A_229 = tpu.memref_slice %arg8[%dma_start3A_226, %dma_start3A_227, %dma_start3A_228] : memref<2x128x128xf32, #tpu.memory_space<vmem>> -> memref<1x128x128xf32, #tpu.memory_space<vmem>>
    %dma_start3A_230 = tpu.memref_squeeze %dma_start3A_229 : memref<1x128x128xf32, #tpu.memory_space<vmem>> -> memref<128x128xf32, #tpu.memory_space<vmem>>
    %dma_start3A_231 = arith.constant 0 : i32
    %dma_start3A_232 = tpu.memref_slice %arg7[%dma_start3A_225, %dma_start3A_231] : memref<4x128xi32, #tpu.memory_space<vmem>> -> memref<1x128xi32, #tpu.memory_space<vmem>>
    %dma_start3A_233 = tpu.memref_squeeze %dma_start3A_232 : memref<1x128xi32, #tpu.memory_space<vmem>> -> memref<128xi32, #tpu.memory_space<vmem>>
    %dma_start3A_234 = arith.constant 0 : i32
    %dma_start3A_235 = arith.constant 0 : i32
    %dma_start3A_236 = tpu.memref_slice %arg5[%dma_start3A_234, %dma_start3A_235] : memref<100000x128xf32, #tpu.memory_space<hbm>> -> memref<100000x128xf32, #tpu.memory_space<hbm>>
    tpu.enqueue_indirect_dma source(%dma_start3A_236 : memref<100000x128xf32, #tpu.memory_space<hbm>>) target(%dma_start3A_230 : memref<128x128xf32, #tpu.memory_space<vmem>>) offsets(%dma_start3A_233 : memref<128xi32, #tpu.memory_space<vmem>>) semaphore(%arg15 : memref<!tpu.dma_semaphore, #tpu.memory_space<semaphore_mem>>)
    %add3A_237 = arith.constant 384 : i32
    %add3A_238 = arith.addi %mul3A_2, %add3A_237 : i32
    %dma_start3A_239 = arith.constant 1 : i32
    %dma_start3A_240 = arith.constant 0 : i32
    %dma_start3A_241 = arith.constant 0 : i32
    %dma_start3A_242 = tpu.memref_slice %arg9[%dma_start3A_239, %dma_start3A_240, %dma_start3A_241] : memref<2x128x128xf32, #tpu.memory_space<vmem>> -> memref<1x128x128xf32, #tpu.memory_space<vmem>>
    %dma_start3A_243 = tpu.memref_squeeze %dma_start3A_242 : memref<1x128x128xf32, #tpu.memory_space<vmem>> -> memref<128x128xf32, #tpu.memory_space<vmem>>
    %dma_start3A_244 = arith.constant 0 : i32
    %dma_start3A_245 = tpu.memref_slice %arg2[%add3A_238, %dma_start3A_244] : memref<16384x128xf32, #tpu.memory_space<hbm>> -> memref<128x128xf32, #tpu.memory_space<hbm>>
    %dma_start3A_246 = arith.constant 0 : i32
    %dma_start3A_247 = arith.constant 0 : i32
    %dma_start3A_248 = tpu.memref_slice %arg9[%dma_start3A_239, %dma_start3A_246, %dma_start3A_247] : memref<2x128x128xf32, #tpu.memory_space<vmem>> -> memref<1x128x128xf32, #tpu.memory_space<vmem>>
    %dma_start3A_249 = tpu.memref_squeeze %dma_start3A_248 : memref<1x128x128xf32, #tpu.memory_space<vmem>> -> memref<128x128xf32, #tpu.memory_space<vmem>>
    %dma_start3A_250 = arith.constant 0 : i32
    %dma_start3A_251 = tpu.memref_slice %arg2[%add3A_238, %dma_start3A_250] : memref<16384x128xf32, #tpu.memory_space<hbm>> -> memref<128x128xf32, #tpu.memory_space<hbm>>
    tpu.enqueue_dma source(%dma_start3A_251 : memref<128x128xf32, #tpu.memory_space<hbm>>) target(%dma_start3A_249 : memref<128x128xf32, #tpu.memory_space<vmem>>) target_semaphore(%arg16 : memref<!tpu.dma_semaphore, #tpu.memory_space<semaphore_mem>>)
    %dma_start3A_252 = arith.constant 1 : i32
    %dma_start3A_253 = arith.constant 0 : i32
    %dma_start3A_254 = arith.constant 0 : i32
    %dma_start3A_255 = tpu.memref_slice %arg10[%dma_start3A_252, %dma_start3A_253, %dma_start3A_254] : memref<2x128x128xf32, #tpu.memory_space<vmem>> -> memref<1x128x128xf32, #tpu.memory_space<vmem>>
    %dma_start3A_256 = tpu.memref_squeeze %dma_start3A_255 : memref<1x128x128xf32, #tpu.memory_space<vmem>> -> memref<128x128xf32, #tpu.memory_space<vmem>>
    %dma_start3A_257 = arith.constant 0 : i32
    %dma_start3A_258 = tpu.memref_slice %arg3[%add3A_238, %dma_start3A_257] : memref<16384x128xf32, #tpu.memory_space<hbm>> -> memref<128x128xf32, #tpu.memory_space<hbm>>
    %dma_start3A_259 = arith.constant 0 : i32
    %dma_start3A_260 = arith.constant 0 : i32
    %dma_start3A_261 = tpu.memref_slice %arg10[%dma_start3A_252, %dma_start3A_259, %dma_start3A_260] : memref<2x128x128xf32, #tpu.memory_space<vmem>> -> memref<1x128x128xf32, #tpu.memory_space<vmem>>
    %dma_start3A_262 = tpu.memref_squeeze %dma_start3A_261 : memref<1x128x128xf32, #tpu.memory_space<vmem>> -> memref<128x128xf32, #tpu.memory_space<vmem>>
    %dma_start3A_263 = arith.constant 0 : i32
    %dma_start3A_264 = tpu.memref_slice %arg3[%add3A_238, %dma_start3A_263] : memref<16384x128xf32, #tpu.memory_space<hbm>> -> memref<128x128xf32, #tpu.memory_space<hbm>>
    tpu.enqueue_dma source(%dma_start3A_264 : memref<128x128xf32, #tpu.memory_space<hbm>>) target(%dma_start3A_262 : memref<128x128xf32, #tpu.memory_space<vmem>>) target_semaphore(%arg17 : memref<!tpu.dma_semaphore, #tpu.memory_space<semaphore_mem>>)
    %dma_wait3A_265 = arith.constant 2 : i32
    %dma_wait3A_266 = arith.constant 0 : i32
    %dma_wait3A_267 = arith.constant 0 : i32
    %dma_wait3A_268 = arith.constant 0 : i32
    %dma_wait3A_269 = tpu.memref_slice %arg8[%dma_wait3A_266, %dma_wait3A_267, %dma_wait3A_268] : memref<2x128x128xf32, #tpu.memory_space<vmem>> -> memref<1x128x128xf32, #tpu.memory_space<vmem>>
    %dma_wait3A_270 = tpu.memref_squeeze %dma_wait3A_269 : memref<1x128x128xf32, #tpu.memory_space<vmem>> -> memref<128x128xf32, #tpu.memory_space<vmem>>
    %dma_wait3A_271 = arith.constant 0 : i32
    %dma_wait3A_272 = tpu.memref_slice %arg7[%dma_wait3A_265, %dma_wait3A_271] : memref<4x128xi32, #tpu.memory_space<vmem>> -> memref<1x128xi32, #tpu.memory_space<vmem>>
    %dma_wait3A_273 = tpu.memref_squeeze %dma_wait3A_272 : memref<1x128xi32, #tpu.memory_space<vmem>> -> memref<128xi32, #tpu.memory_space<vmem>>
    %dma_wait3A_274 = arith.constant 0 : i32
    %dma_wait3A_275 = arith.constant 0 : i32
    %dma_wait3A_276 = tpu.memref_slice %arg5[%dma_wait3A_274, %dma_wait3A_275] : memref<100000x128xf32, #tpu.memory_space<hbm>> -> memref<100000x128xf32, #tpu.memory_space<hbm>>
    tpu.wait_indirect_dma semaphore(%arg12 : memref<!tpu.dma_semaphore, #tpu.memory_space<semaphore_mem>>) src(%dma_wait3A_276 : memref<100000x128xf32, #tpu.memory_space<hbm>>) dst(%dma_wait3A_270 : memref<128x128xf32, #tpu.memory_space<vmem>>)
    %dma_wait3A_277 = arith.constant 0 : i32
    %dma_wait3A_278 = arith.constant 0 : i32
    %dma_wait3A_279 = arith.constant 0 : i32
    %dma_wait3A_280 = tpu.memref_slice %arg9[%dma_wait3A_277, %dma_wait3A_278, %dma_wait3A_279] : memref<2x128x128xf32, #tpu.memory_space<vmem>> -> memref<1x128x128xf32, #tpu.memory_space<vmem>>
    %dma_wait3A_281 = tpu.memref_squeeze %dma_wait3A_280 : memref<1x128x128xf32, #tpu.memory_space<vmem>> -> memref<128x128xf32, #tpu.memory_space<vmem>>
    %dma_wait3A_282 = arith.constant 0 : i32
    %dma_wait3A_283 = tpu.memref_slice %arg2[%add3A_154, %dma_wait3A_282] : memref<16384x128xf32, #tpu.memory_space<hbm>> -> memref<128x128xf32, #tpu.memory_space<hbm>>
    %dma_wait3A_284 = arith.constant 0 : i32
    %dma_wait3A_285 = arith.constant 0 : i32
    %dma_wait3A_286 = tpu.memref_slice %arg9[%dma_wait3A_277, %dma_wait3A_284, %dma_wait3A_285] : memref<2x128x128xf32, #tpu.memory_space<vmem>> -> memref<1x128x128xf32, #tpu.memory_space<vmem>>
    %dma_wait3A_287 = tpu.memref_squeeze %dma_wait3A_286 : memref<1x128x128xf32, #tpu.memory_space<vmem>> -> memref<128x128xf32, #tpu.memory_space<vmem>>
    %dma_wait3A_288 = arith.constant 0 : i32
    %dma_wait3A_289 = tpu.memref_slice %arg2[%add3A_154, %dma_wait3A_288] : memref<16384x128xf32, #tpu.memory_space<hbm>> -> memref<128x128xf32, #tpu.memory_space<hbm>>
    tpu.wait_dma2 semaphore(%arg13 : memref<!tpu.dma_semaphore, #tpu.memory_space<semaphore_mem>>) src(%dma_wait3A_289 : memref<128x128xf32, #tpu.memory_space<hbm>>) dst(%dma_wait3A_287 : memref<128x128xf32, #tpu.memory_space<vmem>>)
    %dma_wait3A_290 = arith.constant 0 : i32
    %dma_wait3A_291 = arith.constant 0 : i32
    %dma_wait3A_292 = arith.constant 0 : i32
    %dma_wait3A_293 = tpu.memref_slice %arg10[%dma_wait3A_290, %dma_wait3A_291, %dma_wait3A_292] : memref<2x128x128xf32, #tpu.memory_space<vmem>> -> memref<1x128x128xf32, #tpu.memory_space<vmem>>
    %dma_wait3A_294 = tpu.memref_squeeze %dma_wait3A_293 : memref<1x128x128xf32, #tpu.memory_space<vmem>> -> memref<128x128xf32, #tpu.memory_space<vmem>>
    %dma_wait3A_295 = arith.constant 0 : i32
    %dma_wait3A_296 = tpu.memref_slice %arg3[%add3A_154, %dma_wait3A_295] : memref<16384x128xf32, #tpu.memory_space<hbm>> -> memref<128x128xf32, #tpu.memory_space<hbm>>
    %dma_wait3A_297 = arith.constant 0 : i32
    %dma_wait3A_298 = arith.constant 0 : i32
    %dma_wait3A_299 = tpu.memref_slice %arg10[%dma_wait3A_290, %dma_wait3A_297, %dma_wait3A_298] : memref<2x128x128xf32, #tpu.memory_space<vmem>> -> memref<1x128x128xf32, #tpu.memory_space<vmem>>
    %dma_wait3A_300 = tpu.memref_squeeze %dma_wait3A_299 : memref<1x128x128xf32, #tpu.memory_space<vmem>> -> memref<128x128xf32, #tpu.memory_space<vmem>>
    %dma_wait3A_301 = arith.constant 0 : i32
    %dma_wait3A_302 = tpu.memref_slice %arg3[%add3A_154, %dma_wait3A_301] : memref<16384x128xf32, #tpu.memory_space<hbm>> -> memref<128x128xf32, #tpu.memory_space<hbm>>
    tpu.wait_dma2 semaphore(%arg14 : memref<!tpu.dma_semaphore, #tpu.memory_space<semaphore_mem>>) src(%dma_wait3A_302 : memref<128x128xf32, #tpu.memory_space<hbm>>) dst(%dma_wait3A_300 : memref<128x128xf32, #tpu.memory_space<vmem>>)
    %scan3A_303 = arith.constant 0 : i32
    %scan3A_304 = arith.constant 128 : i32
    %scan3A_305 = arith.addi %scan3A_303, %scan3A_304 : i32
    %scan3A_306 = arith.constant 1 : i32
    %scan3A_307:8 = scf.for %scan3A_365 = %scan3A_303 to %scan3A_305 step %scan3A_306 iter_args(%scan3A_366 = %scan3A_223#0, %scan3A_367 = %scan3A_223#1, %scan3A_368 = %scan3A_223#2, %scan3A_369 = %scan3A_223#3, %scan3A_370 = %scan3A_223#4, %scan3A_371 = %scan3A_223#5, %scan3A_372 = %scan3A_223#6, %scan3A_373 = %scan3A_223#7) -> (vector<16xf32>, vector<16xf32>, vector<16xf32>, vector<16xf32>, vector<16xf32>, vector<16xf32>, vector<16xf32>, vector<16xf32>)  : i32 {
      %get3A = arith.constant 0 : i32
      %get3A_374 = arith.index_cast %get3A : i32 to index
      %get3A_375 = arith.index_cast %scan3A_365 : i32 to index
      %get3A_376 = arith.constant 0 : index
      %get3A_377 = tpu.vector_load %arg9[%get3A_374, %get3A_375, %get3A_376] {strides = array<i32>} : memref<2x128x128xf32, #tpu.memory_space<vmem>>, vector<1x1x16xf32>,
      %get3A_378 = vector.shape_cast %get3A_377 : vector<1x1x16xf32> to vector<16xf32>
      %get3A_379 = arith.constant 0 : i32
      %get3A_380 = arith.index_cast %get3A_379 : i32 to index
      %get3A_381 = arith.index_cast %scan3A_365 : i32 to index
      %get3A_382 = arith.constant 0 : index
      %get3A_383 = tpu.vector_load %arg8[%get3A_380, %get3A_381, %get3A_382] {strides = array<i32>} : memref<2x128x128xf32, #tpu.memory_space<vmem>>, vector<1x1x16xf32>,
      %get3A_384 = vector.shape_cast %get3A_383 : vector<1x1x16xf32> to vector<16xf32>
      %get3A_385 = arith.constant 0 : i32
      %get3A_386 = arith.index_cast %get3A_385 : i32 to index
      %get3A_387 = arith.index_cast %scan3A_365 : i32 to index
      %get3A_388 = arith.constant 0 : index
      %get3A_389 = tpu.vector_load %arg10[%get3A_386, %get3A_387, %get3A_388] {strides = array<i32>} : memref<2x128x128xf32, #tpu.memory_space<vmem>>, vector<1x1x16xf32>,
      %get3A_390 = vector.shape_cast %get3A_389 : vector<1x1x16xf32> to vector<16xf32>
      %sub3A = arith.subf %get3A_378, %get3A_384 : vector<16xf32>
      %mul3A_391 = arith.mulf %get3A_390, %sub3A : vector<16xf32>
      %mul3A_392 = arith.mulf %mul3A_391, %sub3A : vector<16xf32>
      %add3A_393 = arith.addf %scan3A_366, %mul3A_392 : vector<16xf32>
      %get3A_394 = arith.constant 0 : i32
      %get3A_395 = arith.index_cast %get3A_394 : i32 to index
      %get3A_396 = arith.index_cast %scan3A_365 : i32 to index
      %get3A_397 = arith.constant 16 : index
      %get3A_398 = tpu.vector_load %arg9[%get3A_395, %get3A_396, %get3A_397] {strides = array<i32>} : memref<2x128x128xf32, #tpu.memory_space<vmem>>, vector<1x1x16xf32>,
      %get3A_399 = vector.shape_cast %get3A_398 : vector<1x1x16xf32> to vector<16xf32>
      %get3A_400 = arith.constant 0 : i32
      %get3A_401 = arith.index_cast %get3A_400 : i32 to index
      %get3A_402 = arith.index_cast %scan3A_365 : i32 to index
      %get3A_403 = arith.constant 16 : index
      %get3A_404 = tpu.vector_load %arg8[%get3A_401, %get3A_402, %get3A_403] {strides = array<i32>} : memref<2x128x128xf32, #tpu.memory_space<vmem>>, vector<1x1x16xf32>,
      %get3A_405 = vector.shape_cast %get3A_404 : vector<1x1x16xf32> to vector<16xf32>
      %get3A_406 = arith.constant 0 : i32
      %get3A_407 = arith.index_cast %get3A_406 : i32 to index
      %get3A_408 = arith.index_cast %scan3A_365 : i32 to index
      %get3A_409 = arith.constant 16 : index
      %get3A_410 = tpu.vector_load %arg10[%get3A_407, %get3A_408, %get3A_409] {strides = array<i32>} : memref<2x128x128xf32, #tpu.memory_space<vmem>>, vector<1x1x16xf32>,
      %get3A_411 = vector.shape_cast %get3A_410 : vector<1x1x16xf32> to vector<16xf32>
      %sub3A_412 = arith.subf %get3A_399, %get3A_405 : vector<16xf32>
      %mul3A_413 = arith.mulf %get3A_411, %sub3A_412 : vector<16xf32>
      %mul3A_414 = arith.mulf %mul3A_413, %sub3A_412 : vector<16xf32>
      %add3A_415 = arith.addf %scan3A_367, %mul3A_414 : vector<16xf32>
      %get3A_416 = arith.constant 0 : i32
      %get3A_417 = arith.index_cast %get3A_416 : i32 to index
      %get3A_418 = arith.index_cast %scan3A_365 : i32 to index
      %get3A_419 = arith.constant 32 : index
      %get3A_420 = tpu.vector_load %arg9[%get3A_417, %get3A_418, %get3A_419] {strides = array<i32>} : memref<2x128x128xf32, #tpu.memory_space<vmem>>, vector<1x1x16xf32>,
      %get3A_421 = vector.shape_cast %get3A_420 : vector<1x1x16xf32> to vector<16xf32>
      %get3A_422 = arith.constant 0 : i32
      %get3A_423 = arith.index_cast %get3A_422 : i32 to index
      %get3A_424 = arith.index_cast %scan3A_365 : i32 to index
      %get3A_425 = arith.constant 32 : index
      %get3A_426 = tpu.vector_load %arg8[%get3A_423, %get3A_424, %get3A_425] {strides = array<i32>} : memref<2x128x128xf32, #tpu.memory_space<vmem>>, vector<1x1x16xf32>,
      %get3A_427 = vector.shape_cast %get3A_426 : vector<1x1x16xf32> to vector<16xf32>
      %get3A_428 = arith.constant 0 : i32
      %get3A_429 = arith.index_cast %get3A_428 : i32 to index
      %get3A_430 = arith.index_cast %scan3A_365 : i32 to index
      %get3A_431 = arith.constant 32 : index
      %get3A_432 = tpu.vector_load %arg10[%get3A_429, %get3A_430, %get3A_431] {strides = array<i32>} : memref<2x128x128xf32, #tpu.memory_space<vmem>>, vector<1x1x16xf32>,
      %get3A_433 = vector.shape_cast %get3A_432 : vector<1x1x16xf32> to vector<16xf32>
      %sub3A_434 = arith.subf %get3A_421, %get3A_427 : vector<16xf32>
      %mul3A_435 = arith.mulf %get3A_433, %sub3A_434 : vector<16xf32>
      %mul3A_436 = arith.mulf %mul3A_435, %sub3A_434 : vector<16xf32>
      %add3A_437 = arith.addf %scan3A_368, %mul3A_436 : vector<16xf32>
      %get3A_438 = arith.constant 0 : i32
      %get3A_439 = arith.index_cast %get3A_438 : i32 to index
      %get3A_440 = arith.index_cast %scan3A_365 : i32 to index
      %get3A_441 = arith.constant 48 : index
      %get3A_442 = tpu.vector_load %arg9[%get3A_439, %get3A_440, %get3A_441] {strides = array<i32>} : memref<2x128x128xf32, #tpu.memory_space<vmem>>, vector<1x1x16xf32>,
      %get3A_443 = vector.shape_cast %get3A_442 : vector<1x1x16xf32> to vector<16xf32>
      %get3A_444 = arith.constant 0 : i32
      %get3A_445 = arith.index_cast %get3A_444 : i32 to index
      %get3A_446 = arith.index_cast %scan3A_365 : i32 to index
      %get3A_447 = arith.constant 48 : index
      %get3A_448 = tpu.vector_load %arg8[%get3A_445, %get3A_446, %get3A_447] {strides = array<i32>} : memref<2x128x128xf32, #tpu.memory_space<vmem>>, vector<1x1x16xf32>,
      %get3A_449 = vector.shape_cast %get3A_448 : vector<1x1x16xf32> to vector<16xf32>
      %get3A_450 = arith.constant 0 : i32
      %get3A_451 = arith.index_cast %get3A_450 : i32 to index
      %get3A_452 = arith.index_cast %scan3A_365 : i32 to index
      %get3A_453 = arith.constant 48 : index
      %get3A_454 = tpu.vector_load %arg10[%get3A_451, %get3A_452, %get3A_453] {strides = array<i32>} : memref<2x128x128xf32, #tpu.memory_space<vmem>>, vector<1x1x16xf32>,
      %get3A_455 = vector.shape_cast %get3A_454 : vector<1x1x16xf32> to vector<16xf32>
      %sub3A_456 = arith.subf %get3A_443, %get3A_449 : vector<16xf32>
      %mul3A_457 = arith.mulf %get3A_455, %sub3A_456 : vector<16xf32>
      %mul3A_458 = arith.mulf %mul3A_457, %sub3A_456 : vector<16xf32>
      %add3A_459 = arith.addf %scan3A_369, %mul3A_458 : vector<16xf32>
      %get3A_460 = arith.constant 0 : i32
      %get3A_461 = arith.index_cast %get3A_460 : i32 to index
      %get3A_462 = arith.index_cast %scan3A_365 : i32 to index
      %get3A_463 = arith.constant 64 : index
      %get3A_464 = tpu.vector_load %arg9[%get3A_461, %get3A_462, %get3A_463] {strides = array<i32>} : memref<2x128x128xf32, #tpu.memory_space<vmem>>, vector<1x1x16xf32>,
      %get3A_465 = vector.shape_cast %get3A_464 : vector<1x1x16xf32> to vector<16xf32>
      %get3A_466 = arith.constant 0 : i32
      %get3A_467 = arith.index_cast %get3A_466 : i32 to index
      %get3A_468 = arith.index_cast %scan3A_365 : i32 to index
      %get3A_469 = arith.constant 64 : index
      %get3A_470 = tpu.vector_load %arg8[%get3A_467, %get3A_468, %get3A_469] {strides = array<i32>} : memref<2x128x128xf32, #tpu.memory_space<vmem>>, vector<1x1x16xf32>,
      %get3A_471 = vector.shape_cast %get3A_470 : vector<1x1x16xf32> to vector<16xf32>
      %get3A_472 = arith.constant 0 : i32
      %get3A_473 = arith.index_cast %get3A_472 : i32 to index
      %get3A_474 = arith.index_cast %scan3A_365 : i32 to index
      %get3A_475 = arith.constant 64 : index
      %get3A_476 = tpu.vector_load %arg10[%get3A_473, %get3A_474, %get3A_475] {strides = array<i32>} : memref<2x128x128xf32, #tpu.memory_space<vmem>>, vector<1x1x16xf32>,
      %get3A_477 = vector.shape_cast %get3A_476 : vector<1x1x16xf32> to vector<16xf32>
      %sub3A_478 = arith.subf %get3A_465, %get3A_471 : vector<16xf32>
      %mul3A_479 = arith.mulf %get3A_477, %sub3A_478 : vector<16xf32>
      %mul3A_480 = arith.mulf %mul3A_479, %sub3A_478 : vector<16xf32>
      %add3A_481 = arith.addf %scan3A_370, %mul3A_480 : vector<16xf32>
      %get3A_482 = arith.constant 0 : i32
      %get3A_483 = arith.index_cast %get3A_482 : i32 to index
      %get3A_484 = arith.index_cast %scan3A_365 : i32 to index
      %get3A_485 = arith.constant 80 : index
      %get3A_486 = tpu.vector_load %arg9[%get3A_483, %get3A_484, %get3A_485] {strides = array<i32>} : memref<2x128x128xf32, #tpu.memory_space<vmem>>, vector<1x1x16xf32>,
      %get3A_487 = vector.shape_cast %get3A_486 : vector<1x1x16xf32> to vector<16xf32>
      %get3A_488 = arith.constant 0 : i32
      %get3A_489 = arith.index_cast %get3A_488 : i32 to index
      %get3A_490 = arith.index_cast %scan3A_365 : i32 to index
      %get3A_491 = arith.constant 80 : index
      %get3A_492 = tpu.vector_load %arg8[%get3A_489, %get3A_490, %get3A_491] {strides = array<i32>} : memref<2x128x128xf32, #tpu.memory_space<vmem>>, vector<1x1x16xf32>,
      %get3A_493 = vector.shape_cast %get3A_492 : vector<1x1x16xf32> to vector<16xf32>
      %get3A_494 = arith.constant 0 : i32
      %get3A_495 = arith.index_cast %get3A_494 : i32 to index
      %get3A_496 = arith.index_cast %scan3A_365 : i32 to index
      %get3A_497 = arith.constant 80 : index
      %get3A_498 = tpu.vector_load %arg10[%get3A_495, %get3A_496, %get3A_497] {strides = array<i32>} : memref<2x128x128xf32, #tpu.memory_space<vmem>>, vector<1x1x16xf32>,
      %get3A_499 = vector.shape_cast %get3A_498 : vector<1x1x16xf32> to vector<16xf32>
      %sub3A_500 = arith.subf %get3A_487, %get3A_493 : vector<16xf32>
      %mul3A_501 = arith.mulf %get3A_499, %sub3A_500 : vector<16xf32>
      %mul3A_502 = arith.mulf %mul3A_501, %sub3A_500 : vector<16xf32>
      %add3A_503 = arith.addf %scan3A_371, %mul3A_502 : vector<16xf32>
      %get3A_504 = arith.constant 0 : i32
      %get3A_505 = arith.index_cast %get3A_504 : i32 to index
      %get3A_506 = arith.index_cast %scan3A_365 : i32 to index
      %get3A_507 = arith.constant 96 : index
      %get3A_508 = tpu.vector_load %arg9[%get3A_505, %get3A_506, %get3A_507] {strides = array<i32>} : memref<2x128x128xf32, #tpu.memory_space<vmem>>, vector<1x1x16xf32>,
      %get3A_509 = vector.shape_cast %get3A_508 : vector<1x1x16xf32> to vector<16xf32>
      %get3A_510 = arith.constant 0 : i32
      %get3A_511 = arith.index_cast %get3A_510 : i32 to index
      %get3A_512 = arith.index_cast %scan3A_365 : i32 to index
      %get3A_513 = arith.constant 96 : index
      %get3A_514 = tpu.vector_load %arg8[%get3A_511, %get3A_512, %get3A_513] {strides = array<i32>} : memref<2x128x128xf32, #tpu.memory_space<vmem>>, vector<1x1x16xf32>,
      %get3A_515 = vector.shape_cast %get3A_514 : vector<1x1x16xf32> to vector<16xf32>
      %get3A_516 = arith.constant 0 : i32
      %get3A_517 = arith.index_cast %get3A_516 : i32 to index
      %get3A_518 = arith.index_cast %scan3A_365 : i32 to index
      %get3A_519 = arith.constant 96 : index
      %get3A_520 = tpu.vector_load %arg10[%get3A_517, %get3A_518, %get3A_519] {strides = array<i32>} : memref<2x128x128xf32, #tpu.memory_space<vmem>>, vector<1x1x16xf32>,
      %get3A_521 = vector.shape_cast %get3A_520 : vector<1x1x16xf32> to vector<16xf32>
      %sub3A_522 = arith.subf %get3A_509, %get3A_515 : vector<16xf32>
      %mul3A_523 = arith.mulf %get3A_521, %sub3A_522 : vector<16xf32>
      %mul3A_524 = arith.mulf %mul3A_523, %sub3A_522 : vector<16xf32>
      %add3A_525 = arith.addf %scan3A_372, %mul3A_524 : vector<16xf32>
      %get3A_526 = arith.constant 0 : i32
      %get3A_527 = arith.index_cast %get3A_526 : i32 to index
      %get3A_528 = arith.index_cast %scan3A_365 : i32 to index
      %get3A_529 = arith.constant 112 : index
      %get3A_530 = tpu.vector_load %arg9[%get3A_527, %get3A_528, %get3A_529] {strides = array<i32>} : memref<2x128x128xf32, #tpu.memory_space<vmem>>, vector<1x1x16xf32>,
      %get3A_531 = vector.shape_cast %get3A_530 : vector<1x1x16xf32> to vector<16xf32>
      %get3A_532 = arith.constant 0 : i32
      %get3A_533 = arith.index_cast %get3A_532 : i32 to index
      %get3A_534 = arith.index_cast %scan3A_365 : i32 to index
      %get3A_535 = arith.constant 112 : index
      %get3A_536 = tpu.vector_load %arg8[%get3A_533, %get3A_534, %get3A_535] {strides = array<i32>} : memref<2x128x128xf32, #tpu.memory_space<vmem>>, vector<1x1x16xf32>,
      %get3A_537 = vector.shape_cast %get3A_536 : vector<1x1x16xf32> to vector<16xf32>
      %get3A_538 = arith.constant 0 : i32
      %get3A_539 = arith.index_cast %get3A_538 : i32 to index
      %get3A_540 = arith.index_cast %scan3A_365 : i32 to index
      %get3A_541 = arith.constant 112 : index
      %get3A_542 = tpu.vector_load %arg10[%get3A_539, %get3A_540, %get3A_541] {strides = array<i32>} : memref<2x128x128xf32, #tpu.memory_space<vmem>>, vector<1x1x16xf32>,
      %get3A_543 = vector.shape_cast %get3A_542 : vector<1x1x16xf32> to vector<16xf32>
      %sub3A_544 = arith.subf %get3A_531, %get3A_537 : vector<16xf32>
      %mul3A_545 = arith.mulf %get3A_543, %sub3A_544 : vector<16xf32>
      %mul3A_546 = arith.mulf %mul3A_545, %sub3A_544 : vector<16xf32>
      %add3A_547 = arith.addf %scan3A_373, %mul3A_546 : vector<16xf32>
      scf.yield %add3A_393, %add3A_415, %add3A_437, %add3A_459, %add3A_481, %add3A_503, %add3A_525, %add3A_547 : vector<16xf32>, vector<16xf32>, vector<16xf32>, vector<16xf32>, vector<16xf32>, vector<16xf32>, vector<16xf32>, vector<16xf32>
    }
    %scan3A_308 = arith.constant 128 : i32
    %dma_wait3A_309 = arith.constant 3 : i32
    %dma_wait3A_310 = arith.constant 1 : i32
    %dma_wait3A_311 = arith.constant 0 : i32
    %dma_wait3A_312 = arith.constant 0 : i32
    %dma_wait3A_313 = tpu.memref_slice %arg8[%dma_wait3A_310, %dma_wait3A_311, %dma_wait3A_312] : memref<2x128x128xf32, #tpu.memory_space<vmem>> -> memref<1x128x128xf32, #tpu.memory_space<vmem>>
    %dma_wait3A_314 = tpu.memref_squeeze %dma_wait3A_313 : memref<1x128x128xf32, #tpu.memory_space<vmem>> -> memref<128x128xf32, #tpu.memory_space<vmem>>
    %dma_wait3A_315 = arith.constant 0 : i32
    %dma_wait3A_316 = tpu.memref_slice %arg7[%dma_wait3A_309, %dma_wait3A_315] : memref<4x128xi32, #tpu.memory_space<vmem>> -> memref<1x128xi32, #tpu.memory_space<vmem>>
    %dma_wait3A_317 = tpu.memref_squeeze %dma_wait3A_316 : memref<1x128xi32, #tpu.memory_space<vmem>> -> memref<128xi32, #tpu.memory_space<vmem>>
    %dma_wait3A_318 = arith.constant 0 : i32
    %dma_wait3A_319 = arith.constant 0 : i32
    %dma_wait3A_320 = tpu.memref_slice %arg5[%dma_wait3A_318, %dma_wait3A_319] : memref<100000x128xf32, #tpu.memory_space<hbm>> -> memref<100000x128xf32, #tpu.memory_space<hbm>>
    tpu.wait_indirect_dma semaphore(%arg15 : memref<!tpu.dma_semaphore, #tpu.memory_space<semaphore_mem>>) src(%dma_wait3A_320 : memref<100000x128xf32, #tpu.memory_space<hbm>>) dst(%dma_wait3A_314 : memref<128x128xf32, #tpu.memory_space<vmem>>)
    %dma_wait3A_321 = arith.constant 1 : i32
    %dma_wait3A_322 = arith.constant 0 : i32
    %dma_wait3A_323 = arith.constant 0 : i32
    %dma_wait3A_324 = tpu.memref_slice %arg9[%dma_wait3A_321, %dma_wait3A_322, %dma_wait3A_323] : memref<2x128x128xf32, #tpu.memory_space<vmem>> -> memref<1x128x128xf32, #tpu.memory_space<vmem>>
    %dma_wait3A_325 = tpu.memref_squeeze %dma_wait3A_324 : memref<1x128x128xf32, #tpu.memory_space<vmem>> -> memref<128x128xf32, #tpu.memory_space<vmem>>
    %dma_wait3A_326 = arith.constant 0 : i32
    %dma_wait3A_327 = tpu.memref_slice %arg2[%add3A_238, %dma_wait3A_326] : memref<16384x128xf32, #tpu.memory_space<hbm>> -> memref<128x128xf32, #tpu.memory_space<hbm>>
    %dma_wait3A_328 = arith.constant 0 : i32
    %dma_wait3A_329 = arith.constant 0 : i32
    %dma_wait3A_330 = tpu.memref_slice %arg9[%dma_wait3A_321, %dma_wait3A_328, %dma_wait3A_329] : memref<2x128x128xf32, #tpu.memory_space<vmem>> -> memref<1x128x128xf32, #tpu.memory_space<vmem>>
    %dma_wait3A_331 = tpu.memref_squeeze %dma_wait3A_330 : memref<1x128x128xf32, #tpu.memory_space<vmem>> -> memref<128x128xf32, #tpu.memory_space<vmem>>
    %dma_wait3A_332 = arith.constant 0 : i32
    %dma_wait3A_333 = tpu.memref_slice %arg2[%add3A_238, %dma_wait3A_332] : memref<16384x128xf32, #tpu.memory_space<hbm>> -> memref<128x128xf32, #tpu.memory_space<hbm>>
    tpu.wait_dma2 semaphore(%arg16 : memref<!tpu.dma_semaphore, #tpu.memory_space<semaphore_mem>>) src(%dma_wait3A_333 : memref<128x128xf32, #tpu.memory_space<hbm>>) dst(%dma_wait3A_331 : memref<128x128xf32, #tpu.memory_space<vmem>>)
    %dma_wait3A_334 = arith.constant 1 : i32
    %dma_wait3A_335 = arith.constant 0 : i32
    %dma_wait3A_336 = arith.constant 0 : i32
    %dma_wait3A_337 = tpu.memref_slice %arg10[%dma_wait3A_334, %dma_wait3A_335, %dma_wait3A_336] : memref<2x128x128xf32, #tpu.memory_space<vmem>> -> memref<1x128x128xf32, #tpu.memory_space<vmem>>
    %dma_wait3A_338 = tpu.memref_squeeze %dma_wait3A_337 : memref<1x128x128xf32, #tpu.memory_space<vmem>> -> memref<128x128xf32, #tpu.memory_space<vmem>>
    %dma_wait3A_339 = arith.constant 0 : i32
    %dma_wait3A_340 = tpu.memref_slice %arg3[%add3A_238, %dma_wait3A_339] : memref<16384x128xf32, #tpu.memory_space<hbm>> -> memref<128x128xf32, #tpu.memory_space<hbm>>
    %dma_wait3A_341 = arith.constant 0 : i32
    %dma_wait3A_342 = arith.constant 0 : i32
    %dma_wait3A_343 = tpu.memref_slice %arg10[%dma_wait3A_334, %dma_wait3A_341, %dma_wait3A_342] : memref<2x128x128xf32, #tpu.memory_space<vmem>> -> memref<1x128x128xf32, #tpu.memory_space<vmem>>
    %dma_wait3A_344 = tpu.memref_squeeze %dma_wait3A_343 : memref<1x128x128xf32, #tpu.memory_space<vmem>> -> memref<128x128xf32, #tpu.memory_space<vmem>>
    %dma_wait3A_345 = arith.constant 0 : i32
    %dma_wait3A_346 = tpu.memref_slice %arg3[%add3A_238, %dma_wait3A_345] : memref<16384x128xf32, #tpu.memory_space<hbm>> -> memref<128x128xf32, #tpu.memory_space<hbm>>
    tpu.wait_dma2 semaphore(%arg17 : memref<!tpu.dma_semaphore, #tpu.memory_space<semaphore_mem>>) src(%dma_wait3A_346 : memref<128x128xf32, #tpu.memory_space<hbm>>) dst(%dma_wait3A_344 : memref<128x128xf32, #tpu.memory_space<vmem>>)
    %scan3A_347 = arith.constant 0 : i32
    %scan3A_348 = arith.constant 128 : i32
    %scan3A_349 = arith.addi %scan3A_347, %scan3A_348 : i32
    %scan3A_350 = arith.constant 1 : i32
    %scan3A_351:8 = scf.for %scan3A_365 = %scan3A_347 to %scan3A_349 step %scan3A_350 iter_args(%scan3A_366 = %scan3A_307#0, %scan3A_367 = %scan3A_307#1, %scan3A_368 = %scan3A_307#2, %scan3A_369 = %scan3A_307#3, %scan3A_370 = %scan3A_307#4, %scan3A_371 = %scan3A_307#5, %scan3A_372 = %scan3A_307#6, %scan3A_373 = %scan3A_307#7) -> (vector<16xf32>, vector<16xf32>, vector<16xf32>, vector<16xf32>, vector<16xf32>, vector<16xf32>, vector<16xf32>, vector<16xf32>)  : i32 {
      %get3A = arith.constant 1 : i32
      %get3A_374 = arith.index_cast %get3A : i32 to index
      %get3A_375 = arith.index_cast %scan3A_365 : i32 to index
      %get3A_376 = arith.constant 0 : index
      %get3A_377 = tpu.vector_load %arg9[%get3A_374, %get3A_375, %get3A_376] {strides = array<i32>} : memref<2x128x128xf32, #tpu.memory_space<vmem>>, vector<1x1x16xf32>,
      %get3A_378 = vector.shape_cast %get3A_377 : vector<1x1x16xf32> to vector<16xf32>
      %get3A_379 = arith.constant 1 : i32
      %get3A_380 = arith.index_cast %get3A_379 : i32 to index
      %get3A_381 = arith.index_cast %scan3A_365 : i32 to index
      %get3A_382 = arith.constant 0 : index
      %get3A_383 = tpu.vector_load %arg8[%get3A_380, %get3A_381, %get3A_382] {strides = array<i32>} : memref<2x128x128xf32, #tpu.memory_space<vmem>>, vector<1x1x16xf32>,
      %get3A_384 = vector.shape_cast %get3A_383 : vector<1x1x16xf32> to vector<16xf32>
      %get3A_385 = arith.constant 1 : i32
      %get3A_386 = arith.index_cast %get3A_385 : i32 to index
      %get3A_387 = arith.index_cast %scan3A_365 : i32 to index
      %get3A_388 = arith.constant 0 : index
      %get3A_389 = tpu.vector_load %arg10[%get3A_386, %get3A_387, %get3A_388] {strides = array<i32>} : memref<2x128x128xf32, #tpu.memory_space<vmem>>, vector<1x1x16xf32>,
      %get3A_390 = vector.shape_cast %get3A_389 : vector<1x1x16xf32> to vector<16xf32>
      %sub3A = arith.subf %get3A_378, %get3A_384 : vector<16xf32>
      %mul3A_391 = arith.mulf %get3A_390, %sub3A : vector<16xf32>
      %mul3A_392 = arith.mulf %mul3A_391, %sub3A : vector<16xf32>
      %add3A_393 = arith.addf %scan3A_366, %mul3A_392 : vector<16xf32>
      %get3A_394 = arith.constant 1 : i32
      %get3A_395 = arith.index_cast %get3A_394 : i32 to index
      %get3A_396 = arith.index_cast %scan3A_365 : i32 to index
      %get3A_397 = arith.constant 16 : index
      %get3A_398 = tpu.vector_load %arg9[%get3A_395, %get3A_396, %get3A_397] {strides = array<i32>} : memref<2x128x128xf32, #tpu.memory_space<vmem>>, vector<1x1x16xf32>,
      %get3A_399 = vector.shape_cast %get3A_398 : vector<1x1x16xf32> to vector<16xf32>
      %get3A_400 = arith.constant 1 : i32
      %get3A_401 = arith.index_cast %get3A_400 : i32 to index
      %get3A_402 = arith.index_cast %scan3A_365 : i32 to index
      %get3A_403 = arith.constant 16 : index
      %get3A_404 = tpu.vector_load %arg8[%get3A_401, %get3A_402, %get3A_403] {strides = array<i32>} : memref<2x128x128xf32, #tpu.memory_space<vmem>>, vector<1x1x16xf32>,
      %get3A_405 = vector.shape_cast %get3A_404 : vector<1x1x16xf32> to vector<16xf32>
      %get3A_406 = arith.constant 1 : i32
      %get3A_407 = arith.index_cast %get3A_406 : i32 to index
      %get3A_408 = arith.index_cast %scan3A_365 : i32 to index
      %get3A_409 = arith.constant 16 : index
      %get3A_410 = tpu.vector_load %arg10[%get3A_407, %get3A_408, %get3A_409] {strides = array<i32>} : memref<2x128x128xf32, #tpu.memory_space<vmem>>, vector<1x1x16xf32>,
      %get3A_411 = vector.shape_cast %get3A_410 : vector<1x1x16xf32> to vector<16xf32>
      %sub3A_412 = arith.subf %get3A_399, %get3A_405 : vector<16xf32>
      %mul3A_413 = arith.mulf %get3A_411, %sub3A_412 : vector<16xf32>
      %mul3A_414 = arith.mulf %mul3A_413, %sub3A_412 : vector<16xf32>
      %add3A_415 = arith.addf %scan3A_367, %mul3A_414 : vector<16xf32>
      %get3A_416 = arith.constant 1 : i32
      %get3A_417 = arith.index_cast %get3A_416 : i32 to index
      %get3A_418 = arith.index_cast %scan3A_365 : i32 to index
      %get3A_419 = arith.constant 32 : index
      %get3A_420 = tpu.vector_load %arg9[%get3A_417, %get3A_418, %get3A_419] {strides = array<i32>} : memref<2x128x128xf32, #tpu.memory_space<vmem>>, vector<1x1x16xf32>,
      %get3A_421 = vector.shape_cast %get3A_420 : vector<1x1x16xf32> to vector<16xf32>
      %get3A_422 = arith.constant 1 : i32
      %get3A_423 = arith.index_cast %get3A_422 : i32 to index
      %get3A_424 = arith.index_cast %scan3A_365 : i32 to index
      %get3A_425 = arith.constant 32 : index
      %get3A_426 = tpu.vector_load %arg8[%get3A_423, %get3A_424, %get3A_425] {strides = array<i32>} : memref<2x128x128xf32, #tpu.memory_space<vmem>>, vector<1x1x16xf32>,
      %get3A_427 = vector.shape_cast %get3A_426 : vector<1x1x16xf32> to vector<16xf32>
      %get3A_428 = arith.constant 1 : i32
      %get3A_429 = arith.index_cast %get3A_428 : i32 to index
      %get3A_430 = arith.index_cast %scan3A_365 : i32 to index
      %get3A_431 = arith.constant 32 : index
      %get3A_432 = tpu.vector_load %arg10[%get3A_429, %get3A_430, %get3A_431] {strides = array<i32>} : memref<2x128x128xf32, #tpu.memory_space<vmem>>, vector<1x1x16xf32>,
      %get3A_433 = vector.shape_cast %get3A_432 : vector<1x1x16xf32> to vector<16xf32>
      %sub3A_434 = arith.subf %get3A_421, %get3A_427 : vector<16xf32>
      %mul3A_435 = arith.mulf %get3A_433, %sub3A_434 : vector<16xf32>
      %mul3A_436 = arith.mulf %mul3A_435, %sub3A_434 : vector<16xf32>
      %add3A_437 = arith.addf %scan3A_368, %mul3A_436 : vector<16xf32>
      %get3A_438 = arith.constant 1 : i32
      %get3A_439 = arith.index_cast %get3A_438 : i32 to index
      %get3A_440 = arith.index_cast %scan3A_365 : i32 to index
      %get3A_441 = arith.constant 48 : index
      %get3A_442 = tpu.vector_load %arg9[%get3A_439, %get3A_440, %get3A_441] {strides = array<i32>} : memref<2x128x128xf32, #tpu.memory_space<vmem>>, vector<1x1x16xf32>,
      %get3A_443 = vector.shape_cast %get3A_442 : vector<1x1x16xf32> to vector<16xf32>
      %get3A_444 = arith.constant 1 : i32
      %get3A_445 = arith.index_cast %get3A_444 : i32 to index
      %get3A_446 = arith.index_cast %scan3A_365 : i32 to index
      %get3A_447 = arith.constant 48 : index
      %get3A_448 = tpu.vector_load %arg8[%get3A_445, %get3A_446, %get3A_447] {strides = array<i32>} : memref<2x128x128xf32, #tpu.memory_space<vmem>>, vector<1x1x16xf32>,
      %get3A_449 = vector.shape_cast %get3A_448 : vector<1x1x16xf32> to vector<16xf32>
      %get3A_450 = arith.constant 1 : i32
      %get3A_451 = arith.index_cast %get3A_450 : i32 to index
      %get3A_452 = arith.index_cast %scan3A_365 : i32 to index
      %get3A_453 = arith.constant 48 : index
      %get3A_454 = tpu.vector_load %arg10[%get3A_451, %get3A_452, %get3A_453] {strides = array<i32>} : memref<2x128x128xf32, #tpu.memory_space<vmem>>, vector<1x1x16xf32>,
      %get3A_455 = vector.shape_cast %get3A_454 : vector<1x1x16xf32> to vector<16xf32>
      %sub3A_456 = arith.subf %get3A_443, %get3A_449 : vector<16xf32>
      %mul3A_457 = arith.mulf %get3A_455, %sub3A_456 : vector<16xf32>
      %mul3A_458 = arith.mulf %mul3A_457, %sub3A_456 : vector<16xf32>
      %add3A_459 = arith.addf %scan3A_369, %mul3A_458 : vector<16xf32>
      %get3A_460 = arith.constant 1 : i32
      %get3A_461 = arith.index_cast %get3A_460 : i32 to index
      %get3A_462 = arith.index_cast %scan3A_365 : i32 to index
      %get3A_463 = arith.constant 64 : index
      %get3A_464 = tpu.vector_load %arg9[%get3A_461, %get3A_462, %get3A_463] {strides = array<i32>} : memref<2x128x128xf32, #tpu.memory_space<vmem>>, vector<1x1x16xf32>,
      %get3A_465 = vector.shape_cast %get3A_464 : vector<1x1x16xf32> to vector<16xf32>
      %get3A_466 = arith.constant 1 : i32
      %get3A_467 = arith.index_cast %get3A_466 : i32 to index
      %get3A_468 = arith.index_cast %scan3A_365 : i32 to index
      %get3A_469 = arith.constant 64 : index
      %get3A_470 = tpu.vector_load %arg8[%get3A_467, %get3A_468, %get3A_469] {strides = array<i32>} : memref<2x128x128xf32, #tpu.memory_space<vmem>>, vector<1x1x16xf32>,
      %get3A_471 = vector.shape_cast %get3A_470 : vector<1x1x16xf32> to vector<16xf32>
      %get3A_472 = arith.constant 1 : i32
      %get3A_473 = arith.index_cast %get3A_472 : i32 to index
      %get3A_474 = arith.index_cast %scan3A_365 : i32 to index
      %get3A_475 = arith.constant 64 : index
      %get3A_476 = tpu.vector_load %arg10[%get3A_473, %get3A_474, %get3A_475] {strides = array<i32>} : memref<2x128x128xf32, #tpu.memory_space<vmem>>, vector<1x1x16xf32>,
      %get3A_477 = vector.shape_cast %get3A_476 : vector<1x1x16xf32> to vector<16xf32>
      %sub3A_478 = arith.subf %get3A_465, %get3A_471 : vector<16xf32>
      %mul3A_479 = arith.mulf %get3A_477, %sub3A_478 : vector<16xf32>
      %mul3A_480 = arith.mulf %mul3A_479, %sub3A_478 : vector<16xf32>
      %add3A_481 = arith.addf %scan3A_370, %mul3A_480 : vector<16xf32>
      %get3A_482 = arith.constant 1 : i32
      %get3A_483 = arith.index_cast %get3A_482 : i32 to index
      %get3A_484 = arith.index_cast %scan3A_365 : i32 to index
      %get3A_485 = arith.constant 80 : index
      %get3A_486 = tpu.vector_load %arg9[%get3A_483, %get3A_484, %get3A_485] {strides = array<i32>} : memref<2x128x128xf32, #tpu.memory_space<vmem>>, vector<1x1x16xf32>,
      %get3A_487 = vector.shape_cast %get3A_486 : vector<1x1x16xf32> to vector<16xf32>
      %get3A_488 = arith.constant 1 : i32
      %get3A_489 = arith.index_cast %get3A_488 : i32 to index
      %get3A_490 = arith.index_cast %scan3A_365 : i32 to index
      %get3A_491 = arith.constant 80 : index
      %get3A_492 = tpu.vector_load %arg8[%get3A_489, %get3A_490, %get3A_491] {strides = array<i32>} : memref<2x128x128xf32, #tpu.memory_space<vmem>>, vector<1x1x16xf32>,
      %get3A_493 = vector.shape_cast %get3A_492 : vector<1x1x16xf32> to vector<16xf32>
      %get3A_494 = arith.constant 1 : i32
      %get3A_495 = arith.index_cast %get3A_494 : i32 to index
      %get3A_496 = arith.index_cast %scan3A_365 : i32 to index
      %get3A_497 = arith.constant 80 : index
      %get3A_498 = tpu.vector_load %arg10[%get3A_495, %get3A_496, %get3A_497] {strides = array<i32>} : memref<2x128x128xf32, #tpu.memory_space<vmem>>, vector<1x1x16xf32>,
      %get3A_499 = vector.shape_cast %get3A_498 : vector<1x1x16xf32> to vector<16xf32>
      %sub3A_500 = arith.subf %get3A_487, %get3A_493 : vector<16xf32>
      %mul3A_501 = arith.mulf %get3A_499, %sub3A_500 : vector<16xf32>
      %mul3A_502 = arith.mulf %mul3A_501, %sub3A_500 : vector<16xf32>
      %add3A_503 = arith.addf %scan3A_371, %mul3A_502 : vector<16xf32>
      %get3A_504 = arith.constant 1 : i32
      %get3A_505 = arith.index_cast %get3A_504 : i32 to index
      %get3A_506 = arith.index_cast %scan3A_365 : i32 to index
      %get3A_507 = arith.constant 96 : index
      %get3A_508 = tpu.vector_load %arg9[%get3A_505, %get3A_506, %get3A_507] {strides = array<i32>} : memref<2x128x128xf32, #tpu.memory_space<vmem>>, vector<1x1x16xf32>,
      %get3A_509 = vector.shape_cast %get3A_508 : vector<1x1x16xf32> to vector<16xf32>
      %get3A_510 = arith.constant 1 : i32
      %get3A_511 = arith.index_cast %get3A_510 : i32 to index
      %get3A_512 = arith.index_cast %scan3A_365 : i32 to index
      %get3A_513 = arith.constant 96 : index
      %get3A_514 = tpu.vector_load %arg8[%get3A_511, %get3A_512, %get3A_513] {strides = array<i32>} : memref<2x128x128xf32, #tpu.memory_space<vmem>>, vector<1x1x16xf32>,
      %get3A_515 = vector.shape_cast %get3A_514 : vector<1x1x16xf32> to vector<16xf32>
      %get3A_516 = arith.constant 1 : i32
      %get3A_517 = arith.index_cast %get3A_516 : i32 to index
      %get3A_518 = arith.index_cast %scan3A_365 : i32 to index
      %get3A_519 = arith.constant 96 : index
      %get3A_520 = tpu.vector_load %arg10[%get3A_517, %get3A_518, %get3A_519] {strides = array<i32>} : memref<2x128x128xf32, #tpu.memory_space<vmem>>, vector<1x1x16xf32>,
      %get3A_521 = vector.shape_cast %get3A_520 : vector<1x1x16xf32> to vector<16xf32>
      %sub3A_522 = arith.subf %get3A_509, %get3A_515 : vector<16xf32>
      %mul3A_523 = arith.mulf %get3A_521, %sub3A_522 : vector<16xf32>
      %mul3A_524 = arith.mulf %mul3A_523, %sub3A_522 : vector<16xf32>
      %add3A_525 = arith.addf %scan3A_372, %mul3A_524 : vector<16xf32>
      %get3A_526 = arith.constant 1 : i32
      %get3A_527 = arith.index_cast %get3A_526 : i32 to index
      %get3A_528 = arith.index_cast %scan3A_365 : i32 to index
      %get3A_529 = arith.constant 112 : index
      %get3A_530 = tpu.vector_load %arg9[%get3A_527, %get3A_528, %get3A_529] {strides = array<i32>} : memref<2x128x128xf32, #tpu.memory_space<vmem>>, vector<1x1x16xf32>,
      %get3A_531 = vector.shape_cast %get3A_530 : vector<1x1x16xf32> to vector<16xf32>
      %get3A_532 = arith.constant 1 : i32
      %get3A_533 = arith.index_cast %get3A_532 : i32 to index
      %get3A_534 = arith.index_cast %scan3A_365 : i32 to index
      %get3A_535 = arith.constant 112 : index
      %get3A_536 = tpu.vector_load %arg8[%get3A_533, %get3A_534, %get3A_535] {strides = array<i32>} : memref<2x128x128xf32, #tpu.memory_space<vmem>>, vector<1x1x16xf32>,
      %get3A_537 = vector.shape_cast %get3A_536 : vector<1x1x16xf32> to vector<16xf32>
      %get3A_538 = arith.constant 1 : i32
      %get3A_539 = arith.index_cast %get3A_538 : i32 to index
      %get3A_540 = arith.index_cast %scan3A_365 : i32 to index
      %get3A_541 = arith.constant 112 : index
      %get3A_542 = tpu.vector_load %arg10[%get3A_539, %get3A_540, %get3A_541] {strides = array<i32>} : memref<2x128x128xf32, #tpu.memory_space<vmem>>, vector<1x1x16xf32>,
      %get3A_543 = vector.shape_cast %get3A_542 : vector<1x1x16xf32> to vector<16xf32>
      %sub3A_544 = arith.subf %get3A_531, %get3A_537 : vector<16xf32>
      %mul3A_545 = arith.mulf %get3A_543, %sub3A_544 : vector<16xf32>
      %mul3A_546 = arith.mulf %mul3A_545, %sub3A_544 : vector<16xf32>
      %add3A_547 = arith.addf %scan3A_373, %mul3A_546 : vector<16xf32>
      scf.yield %add3A_393, %add3A_415, %add3A_437, %add3A_459, %add3A_481, %add3A_503, %add3A_525, %add3A_547 : vector<16xf32>, vector<16xf32>, vector<16xf32>, vector<16xf32>, vector<16xf32>, vector<16xf32>, vector<16xf32>, vector<16xf32>
    }
    %scan3A_352 = arith.constant 128 : i32
    %add3A_353 = arith.addf %scan3A_351#0, %scan3A_351#1 : vector<16xf32>
    %add3A_354 = arith.addf %add3A_353, %scan3A_351#2 : vector<16xf32>
    %add3A_355 = arith.addf %add3A_354, %scan3A_351#3 : vector<16xf32>
    %add3A_356 = arith.addf %add3A_355, %scan3A_351#4 : vector<16xf32>
    %add3A_357 = arith.addf %add3A_356, %scan3A_351#5 : vector<16xf32>
    %add3A_358 = arith.addf %add3A_357, %scan3A_351#6 : vector<16xf32>
    %add3A_359 = arith.addf %add3A_358, %scan3A_351#7 : vector<16xf32>
    %swap3A = arith.constant 0 : index
    %swap3A_360 = tpu.vector_load %arg11[%swap3A] {strides = array<i32>} : memref<16xf32, #tpu.memory_space<vmem>>, vector<16xf32>,
    %swap3A_361 = vector.shape_cast %swap3A_360 : vector<16xf32> to vector<16xf32>
    %swap3A_362 = vector.shape_cast %add3A_359 : vector<16xf32> to vector<16xf32>
    tpu.vector_store %arg11[%swap3A], %swap3A_362 {strides = array<i32>} : memref<16xf32, #tpu.memory_space<vmem>>, vector<16xf32>,
    %mul3A_363 = arith.constant 16 : i32
    %mul3A_364 = arith.muli %add3A, %mul3A_363 : i32
    "tpu.region"() ({
      %run_scoped3A = tpu.sem_alloc : memref<!tpu.dma_semaphore, #tpu.memory_space<semaphore_mem>>
      %dma_start3A_365 = tpu.memref_slice %arg6[%mul3A_364] : memref<512xf32, #tpu.memory_space<hbm>> -> memref<16xf32, #tpu.memory_space<hbm>>
      %dma_start3A_366 = tpu.memref_slice %arg6[%mul3A_364] : memref<512xf32, #tpu.memory_space<hbm>> -> memref<16xf32, #tpu.memory_space<hbm>>
      tpu.enqueue_dma source(%arg11 : memref<16xf32, #tpu.memory_space<vmem>>) target(%dma_start3A_366 : memref<16xf32, #tpu.memory_space<hbm>>) target_semaphore(%run_scoped3A : memref<!tpu.dma_semaphore, #tpu.memory_space<semaphore_mem>>)
      %dma_wait3A_367 = tpu.memref_slice %arg6[%mul3A_364] : memref<512xf32, #tpu.memory_space<hbm>> -> memref<16xf32, #tpu.memory_space<hbm>>
      %dma_wait3A_368 = tpu.memref_slice %arg6[%mul3A_364] : memref<512xf32, #tpu.memory_space<hbm>> -> memref<16xf32, #tpu.memory_space<hbm>>
      tpu.wait_dma2 semaphore(%run_scoped3A : memref<!tpu.dma_semaphore, #tpu.memory_space<semaphore_mem>>) src(%arg11 : memref<16xf32, #tpu.memory_space<vmem>>) dst(%dma_wait3A_368 : memref<16xf32, #tpu.memory_space<hbm>>)
      tpu.yield
    }) : () -> ()
    return
  }
}

</mosaic_0001>

<sc_bundles>
// kernel: kernel.3.cloned.1.call-start
scs
__scs_entry_jumppad:
0x0: {  	(pc) =	sbr.rel $0x88, $3  }
0x1: {  	(tag) =	ssettag $0x0;
	lr =	simm.s32 $0x1  }
0x2: {  	[smem:$0x3F9D] =	sst lr;
	_ =	strace $0xD0000000  }
0x3: {  	_ = 	snop  }
0x4: {  	_ = 	snop  }
0x5: {  	_ = 	snop  }
0x6: {  	_ = 	snop  }
0x7: {  	_ = 	snop  }
__scs_overlays_trampoline_lowered:
0x8: {  	[smem:$0x3FAC] =	sst s0  }
0x9: {  	[smem:$0x3FAD] =	sst s1  }
0xa: {  	[smem:$0x3FAE] =	sst s2  }
0xb: {  	[smem:$0x3FAF] =	sst s3  }
0xc: {  	[smem:$0x3FB0] =	sst s4  }
0xd: {  	[smem:$0x3FB1] =	sst s5  }
0xe: {  	[smem:$0x3FB2] =	sst s6  }
0xf: {  	[smem:$0x3FB3] =	sst s7  }
0x10: {  	[smem:$0x3FB4] =	sst s8  }
0x11: {  	[smem:$0x3FB5] =	sst s9;
	s0 =	simm.s32 @!p0 $0x0  }
0x12: {  	s1 =	sld [smem:$0x3F9B];
	s0 =	simm.s32 @p0 $0x1  }
0x13: {  	[smem:$0x3FB6] =	sst s0;
	s0 =	simm.s32 @!p1 $0x0  }
0x14: {  	s2 =	sld [smem:$0x3F9A];
	s0 =	simm.s32 @p1 $0x1  }
0x15: {  	[smem:$0x3FB7] =	sst s0;
	s0 =	simm.s32 @!p2 $0x0  }
0x16: {  	s3 =	sld [smem:$0x3FDB];
	s0 =	simm.s32 @p2 $0x1  }
0x17: {  	s4 =	simm.s32 $0x1BF5;
	[smem:$0x3FB9] =	sst s0  }
0x18: {  	s0 =	sld [smem:$0x3F9C];
	_ =	swait.ge [sflag:s4], $0x0  }
0x19: {  	s7 =	sld [smem:$0x3F9D]  }
0x1a: {  	s8 =	sadd.s32 $0xFFFFE003, lr  }
0x1b: {  	s9 =	sadd.s32 $0xFFFFFEF7, lr;
	s5 =	simm.s32 $0xFFFFFFFF;
	p2 =	slt.u32 s8, $0xFFFFF086  }
0x1c: {  	p1 =	slt.u32 s9, $0xF7A;
	s5 =	simm.s32 @!p2 $0x0  }
0x1d: {  	s5 =	simm.s32 @p1 $0x1;
	p0 =	seq.s32 s7, s2  }
0x1e: {  	s7 =	smul.u32 @!p0 $0xF7A, s2;
	p2 =	seq.s32 @!p0 s5, $0x0  }
0x1f: {  	s9 =	smul.u32 $0xF7A, s1;
	s8 =	simm.s32 @!p0 $0x1BF5;
	p2 =	por !p2, p0  }
0x20: {  	[sflag:s8] =	ssyncset.s32 @!p0 $0xFFFFF086;
	s6 =	sadd.s32 @!p0 s3, s7;
	s7 =	simm.s32 @!p0 $0x108  }
0x21: {  	s3 =	sadd.s32 s3, s9;
	s6 =	sadd.s32 @!p0 $0x88, s6;
	s7 =	simm.s32 @p2 $0x1082  }
0x22: {  	[simem:s7], [sflag:s8] =	dma.local @!p0 [hbm:s6], $0xF7A  }
0x23: {  	s9 =	sor.u32 $0xD0000000, s2;
	s6 =	simm.s32 $0x108;
	_ =	swait.ge @!p0 [sflag:s8], $0x0  }
0x24: {  	s3 =	sadd.s32 $0x88, s3;
	s6 =	simm.s32 @!p1 $0x1082;
	[sflag:s4] =	ssyncset.s32 $0xFFFFF086  }
0x25: {  	[simem:s6], [sflag:s4] =	dma.local [hbm:s3], $0xF7A  }
0x26: {  	[smem:$0x3F9D] =	sst s1;
	(tag) =	ssettag s2;
	_ =	strace s9  }
0x27: {  	s1 =	sld [smem:$0x3FAD]  }
0x28: {  	s2 =	sld [smem:$0x3FAE]  }
0x29: {  	s4 =	sld [smem:$0x3FB0]  }
0x2a: {  	p0 =	seq.s32 s5, $0x0;
	s5 =	sld [smem:$0x3FB1]  }
0x2b: {  	s6 =	sld [smem:$0x3FB2]  }
0x2c: {  	s7 =	sld [smem:$0x3FB3]  }
0x2d: {  	s3 =	simm.s32 $0x108;
	s8 =	sld [smem:$0x3FB4]  }
0x2e: {  	s3 =	simm.s32 @!p0 $0x1082;
	s9 =	sld [smem:$0x3FB5]  }
0x2f: {  	lr =	sadd.s32 s0, s3;
	s0 =	sld [smem:$0x3FAC]  }
0x30: {  	s3 =	sld [smem:$0x3FAF]  }
0x31: {  	[smem:$0x3FB8] =	sst s10  }
0x32: {  	s10 =	sld [smem:$0x3FB6];
	_ =	sdelay $0x3  }
0x33: {  	p0 =	seq.s32 s10, $0x1;
	s10 =	sld [smem:$0x3FB8];
	_ =	sdelay $0x3  }
0x34: {  	[smem:$0x3FB8] =	sst s10  }
0x35: {  	s10 =	sld [smem:$0x3FB7];
	_ =	sdelay $0x3  }
0x36: {  	p1 =	seq.s32 s10, $0x1;
	s10 =	sld [smem:$0x3FB8];
	_ =	sdelay $0x3  }
0x37: {  	[smem:$0x3FB8] =	sst s10  }
0x38: {  	s10 =	sld [smem:$0x3FB9]  }
0x39: {  	_ = 	snop;
	(pc) =	sbr.ind lr, $3  }
0x3a: {  	_ = 	snop  }
0x3b: {  	_ = 	snop  }
0x3c: {  	p2 =	seq.s32 s10, $0x1;
	s10 =	sld [smem:$0x3FB8]  }
0x3d: {  	_ =	shalt  }
0x3e: {  	_ =	shalt  }
0x3f: {  	_ =	shalt  }
0x40: {  	_ =	shalt  }
0x41: {  	_ =	shalt  }
0x42: {  	_ =	shalt  }
0x43: {  	_ =	shalt  }
0x44: {  	_ =	shalt  }
0x45: {  	_ =	shalt  }
0x46: {  	_ =	shalt  }
0x47: {  	_ =	shalt  }
0x48: {  	_ =	shalt  }
0x49: {  	_ =	shalt  }
0x4a: {  	_ =	shalt  }
0x4b: {  	_ =	shalt  }
0x4c: {  	_ =	shalt  }
0x4d: {  	_ =	shalt  }
0x4e: {  	_ =	shalt  }
0x4f: {  	_ =	shalt  }
0x50: {  	_ =	shalt  }
0x51: {  	_ =	shalt  }
0x52: {  	_ =	shalt  }
0x53: {  	_ =	shalt  }
0x54: {  	_ =	shalt  }
0x55: {  	_ =	shalt  }
0x56: {  	_ =	shalt  }
0x57: {  	_ =	shalt  }
0x58: {  	_ =	shalt  }
0x59: {  	_ =	shalt  }
0x5a: {  	_ =	shalt  }
0x5b: {  	_ =	shalt  }
0x5c: {  	_ =	shalt  }
0x5d: {  	_ =	shalt  }
0x5e: {  	_ =	shalt  }
0x5f: {  	_ =	shalt  }
0x60: {  	_ =	shalt  }
0x61: {  	_ =	shalt  }
0x62: {  	_ =	shalt  }
0x63: {  	_ =	shalt  }
0x64: {  	_ =	shalt  }
0x65: {  	_ =	shalt  }
0x66: {  	_ =	shalt  }
0x67: {  	_ =	shalt  }
0x68: {  	_ =	shalt  }
0x69: {  	_ =	shalt  }
0x6a: {  	_ =	shalt  }
0x6b: {  	_ =	shalt  }
0x6c: {  	_ =	shalt  }
0x6d: {  	_ =	shalt  }
0x6e: {  	_ =	shalt  }
0x6f: {  	_ =	shalt  }
0x70: {  	_ =	shalt  }
0x71: {  	_ =	shalt  }
0x72: {  	_ =	shalt  }
0x73: {  	_ =	shalt  }
0x74: {  	_ =	shalt  }
0x75: {  	_ =	shalt  }
0x76: {  	_ =	shalt  }
0x77: {  	_ =	shalt  }
0x78: {  	_ =	shalt  }
0x79: {  	_ =	shalt  }
0x7a: {  	_ =	shalt  }
0x7b: {  	_ =	shalt  }
0x7c: {  	_ =	shalt  }
0x7d: {  	_ =	shalt  }
0x7e: {  	_ =	shalt  }
0x7f: {  	_ =	shalt  }
0x80: {  	_ =	shalt  }
0x81: {  	_ =	shalt  }
0x82: {  	_ =	shalt  }
0x83: {  	_ =	shalt  }
0x84: {  	_ =	shalt  }
0x85: {  	_ =	shalt  }
0x86: {  	_ =	shalt  }
0x87: {  	_ =	shalt  }
.Lfunc_end0:
.L_simem_size_0:
called_computation_lowered:
.L_overlay_start_0:
0x88: {  	s2 =	sld [smem:$0x3FD9]  }
0x89: {  	s3 =	sld [smem:$0x3FFE];
	_ =	sdelay $0x1  }
0x8a: {  	s1 =	srdreg.scid  }
0x8b: {  	s0 =	sand.u32 $0x1, s1  }
0x8c: {  	s17 =	sshll.u32 s0, $0xA;
	s2 =	sadd.s32 s3, s2  }
0x8d: {  	s2 =	sadd.s32 s2, s17  }
0x8e: {  	[smem:$0x3FC4] =	sst s2  }
0x8f: {  	_ = 	snop  }
0x90: {  	s2 =	sld [smem:$0x3FC9]  }
0x91: {  	s18 =	sld [smem:$0x3FC8]  }
0x92: {  	s4 =	sld [smem:$0x3FC7]  }
0x93: {  	s5 =	sld [smem:$0x3FC6];
	(tm) =	ssettm $0x1  }
0x94: {  	s6 =	sld [smem:$0x3FFB];
	_ =	sdelay $0x3  }
0x95: {  	_ =	strace s6  }
0x96: {  	s6 =	sld [smem:$0x3FFC];
	_ =	sdelay $0x3  }
0x97: {  	_ =	strace s6  }
0x98: {  	s6 =	sld [smem:$0x3FFD];
	_ =	sdelay $0x3  }
0x99: {  	_ =	strace s6  }
0x9a: {  	_ =	strace $0x8FFFFFFF  }
0x9b: {  	s19 =	sld [smem:$0x3FDB];
	_ =	sdelay $0x1  }
0x9c: {  	s7 =	simm.s32 $_scs_section_size  }
0x9d: {  	s8 =	simm.s32 $_size__tile_overlayer_lowered;
	s9 =	simm.s32 $_tile_overlayer_lowered  }
0x9e: {  	s22 =	simm.s32 $0x1BFF;
	s21 =	sshll.u32 s9, $0x1;
	s6 =	sadd.s32 s7, s19  }
0x9f: {  	s10 =	simm.s32 $0x0;
	s20 =	sshll.u32 s8, $0x1;
	s8 =	sadd.s32 s21, s6  }
0xa0: {  	[timem:s10], [sflag:s22] =	dma.local [hbm:s8], s20  }
0xa1: {  	_ =	swait.ge [sflag:s22], s20  }
0xa2: {  	s7 =	ssub.s32 $0x0, s20;
	[sflag:s22] =	ssyncset.done $0x0  }
0xa3: {  	[sflag:s22] =	ssyncadd.s32 s7;
	_ =	sdelay $0x1  }
0xa4: {  	s23 =	simm.s32 $0x1B8B  }
0xa5: {  	_ =	swait.ge [sflag:s23], $0x1  }
0xa6: {  	[sflag:s23] =	ssyncset.done $0x0  }
0xa7: {  	s25 =	simm.s32 $0x1B8E;
	s24 =	sld [smem:$0x3FFE];
	[sflag:s23] =	ssyncadd.s32 $0xFFFFFFFF  }
0xa8: {  	s26 =	simm.s32 $execute0_lowered;
	[smem:$0x3FD2] =	sst s25  }
0xa9: {  	s8 =	sshll.u32 s26, $0x1;
	_ =	strace $0x80000046;
	[dreg:$0x1] =	wrdreg $0xFFFFFFFF  }
0xaa: {  	s28 =	simm.s32 $_size_execute0_lowered;
	s6 =	sadd.s32 s6, s8;
	[dreg:$0x0] =	wrdreg $0x0  }
0xab: {  	s8 =	sshll.u32 s28, $0x1;
	[dreg:$0x2] =	wrdreg s6  }
0xac: {  	[dreg:$0x3] =	wrdreg s8  }
0xad: {  	[dreg:$0x4] =	wrdreg $0xC0  }
0xae: {  	_ =	task [dreg:s10], $0x5FFFF  }
0xaf: {  	[dreg:$0x1] =	wrdreg $0xFFFFFFFF  }
0xb0: {  	[dreg:$0x0] =	wrdreg $0x60  }
0xb1: {  	[dreg:$0x2] =	wrdreg s2  }
0xb2: {  	[dreg:$0x3] =	wrdreg s18  }
0xb3: {  	[dreg:$0x4] =	wrdreg s4  }
0xb4: {  	[dreg:$0x5] =	wrdreg s5  }
0xb5: {  	[dreg:$0x6] =	wrdreg s24  }
0xb6: {  	[dreg:$0x7] =	wrdreg $0x9  }
0xb7: {  	_ =	task.clear_ibuf [dreg:s10], $0x8FFFF;
	_ =	strace $0x90000046  }
0xb8: {  	s29 =	simm.s32 $0x9;
	_ =	strace $0x80000048  }
0xb9: {  	_ =	swait.ge [sflag:s29], $0x1  }
0xba: {  	[sflag:s29] =	ssyncadd.s32 $0xFFFFFFFF  }
0xbb: {  	_ =	strace $0x90000048  }
0xbc: {  	_ =	sfence  }
0xbd: {  	s30 =	sld [smem:$0x0];
	_ =	sdelay $0x2  }
0xbe: {  	s31 =	sshll.u32 s1, $0xD;
	s1 =	sshrl.u32 s1, $0x2  }
0xbf: {  	s3 =	sand.u32 $0x4000, s31;
	s1 =	sadd.s32 s1, s30  }
0xc0: {  	s0 =	sor.u32 s3, s0;
	s1 =	sshll.u32 s1, $0x11  }
0xc1: {  	s0 =	sor.u32 s1, s0  }
0xc2: {  	s0 =	sadd.s32 $0x8F2B, s0  }
0xc3: {  	[sflag:s0] =	ssyncadd.remote.s32 $0x1  }
0xc4: {  	_ =	sfence.sel $0xFFFF  }
0xc5: {  	[dreg:$0x0] =	wrdreg $0xFFFFFFFF;
	(pc) =	sbr.abs _section_cstart, $3  }
0xc6: {  	[dreg:$0x1] =	wrdreg $0xFFFFFFFF  }
0xc7: {  	_ =	task.clear_ibuf [dreg:s10], $0x2FFFF;
	_ =	strace $0x9FFFFFFF  }
0xc8: {  	(tm) =	ssettm $0x7FFFFFFF  }
0xc9: {  	_ =	shalt  }
tec
execute0_lowered:
.L_overlay_start_1:
0x0: {  	(tag) =	ssettag $0x1  }
0x1: {  	s0 =	rddreg [dreg:$0x0]  }
0x2: {  	s1 =	rddreg [dreg:$0x1]  }
0x3: {  	s6 =	rddreg [dreg:$0x2]  }
0x4: {  	s2 =	rddreg [dreg:$0x3]  }
0x5: {  	s13 =	rddreg [dreg:$0x4];
	s3 =	srdreg.scid  }
0x6: {  	s9 =	stileid.u32;
	s16 =	simm.s32 $0x10200;
	s17 =	simm.s32 $0x7  }
0x7: {  	s18 =	simm.s32 $0x80;
	s19 =	simm.s32 $0x200;
	s20 =	simm.s32 $0x4200  }
0x8: {  	s21 =	simm.s32 $0xC200;
	s22 =	simm.s32 $0x14200;
	s23 =	simm.s32 $0x2  }
0x9: {  	s24 =	simm.s32 $0x3;
	s28 =	simm.s32 $0x4;
	s29 =	simm.s32 $0x5  }
0xa: {  	s30 =	simm.s32 $0x6;
	s7 =	sand.u32 $0x1, s3;
	s3 =	simm.s32 $0x0  }
0xb: {  	s5 =	sshll.u32 s9, $0x1;
	s25 =	sshll.u32 s9, $0x7;
	s4 =	ssub.s32 $0x2, s7  }
0xc: {  	[smem:$0x7FF] =	sst s3;
	s12 =	sor.u32 s7, s5;
	s7 =	sshll.u32 s7, $0x6  }
0xd: {  	s8 =	sshrl.u32 s4, $0x1;
	_ =	strace $0x80000047;
	s10 =	sshll.u32 s12, $0xD  }
0xe: {  	s6 =	sadd.s32 s6, s7;
	s31 =	sshll.u32 s12, $0x1;
	s14 =	ssub.s32 s4, s8  }
0xf: {  	s4 =	sadd.s32 s0, s10;
	s5 =	sadd.s32 s1, s10;
	s26 =	sor.u32 $0x800, s10  }
0x10: {  	s6 =	sadd.s32 s25, s6;
	s11 =	sor.u32 $0x1000, s10;
	s15 =	sor.u32 $0x1800, s10  }
0x11: {  	s13 =	sadd.s32 s13, s31;
	s25 =	simm.s32 $0x1;
	s7 =	sadd.s32 s0, s26  }
0x12: {  	s8 =	sadd.s32 s1, s26;
	s9 =	sadd.s32 s0, s11;
	s10 =	sadd.s32 s1, s11  }
0x13: {  	s11 =	sadd.s32 s0, s15;
	s12 =	sadd.s32 s1, s15;
	s14 =	smax.u32 s14, $0x1  }
0x14: {  	s15 =	simm.s32 $0x8200;
	s0 =	simm.s32 $0x18200;
	s1 =	simm.s32 $0x0  }
.LBB2_1:
0x15: {  	[tilespmem:s15], [sflag:$0x2] =	stream.linear.gather [hbm4b:s4+s3], $0x4000, $0x38;
	[tilespmem:$0x18280] =	vst v63  }
0x16: {  	_ = 	snop  }
0x17: {  	[tilespmem:s16], [sflag:$0x3] =	stream.linear.gather [hbm4b:s5+s3], $0x4000, $0x38;
	[tilespmem:$0x18280] =	vst v63  }
0x18: {  	_ = 	snop  }
0x19: {  	[tilespmem:s3], [sflag:$0x7] =	stream.linear.gather [hbm4b:s6+s3], $0x200, $0x38;
	[tilespmem:$0x18280] =	vst v63  }
0x1a: {  	_ =	swait.ge [sflag:s17], $0x200  }
0x1b: {  	[sflag:s17] =	ssyncset.done $0x0  }
0x1c: {  	[sflag:s17] =	ssyncadd.s32 $0xFFFFFE00  }
0x1d: {  	[tilespmem:s19], [sflag:$0x1] =	stream.indirect.gather [hbm4b:s2+s18], $0x80, s3, s18, $0xb8;
	[tilespmem:$0x18280] =	vst v63  }
0x1e: {  	_ = 	snop  }
0x1f: {  	[tilespmem:s20], [sflag:$0x4] =	stream.indirect.gather [hbm4b:s2+s18], $0x80, s18, s18, $0xb8;
	[tilespmem:$0x18280] =	vst v63  }
0x20: {  	_ = 	snop  }
0x21: {  	[tilespmem:s21], [sflag:$0x5] =	stream.linear.gather [hbm4b:s7+s3], $0x4000, $0x38;
	[tilespmem:$0x18280] =	vst v63  }
0x22: {  	_ = 	snop  }
0x23: {  	[tilespmem:s22], [sflag:$0x6] =	stream.linear.gather [hbm4b:s8+s3], $0x4000, $0x38;
	[tilespmem:$0x18280] =	vst v63  }
0x24: {  	_ =	swait.ge [sflag:s23], $0x4000  }
0x25: {  	[sflag:s23] =	ssyncset.done $0x0  }
0x26: {  	[sflag:s23] =	ssyncadd.s32 $0xFFFFC000  }
0x27: {  	_ =	swait.ge [sflag:s24], $0x4000  }
0x28: {  	[sflag:s24] =	ssyncset.done $0x0  }
0x29: {  	[sflag:s24] =	ssyncadd.s32 $0xFFFFC000  }
0x2a: {  	_ =	swait.ge [sflag:s25], $0x4000  }
0x2b: {  	[sflag:s25] =	ssyncset.done $0x0  }
0x2c: {  	s31 =	simm.s32 $0x0;
	[sflag:s25] =	ssyncadd.s32 $0xFFFFC000  }
0x2d: {  	v0 =	vld [tilespmem:s31+$0x8270]  }
0x2e: {  	v1 =	vld [tilespmem:s31+$0x270]  }
0x2f: {  	v3 =	vld [tilespmem:s31+$0x8200]  }
0x30: {  	v2 =	vld [tilespmem:s31+$0x10270]  }
0x31: {  	v4 =	vld [tilespmem:s31+$0x200]  }
0x32: {  	v5 =	vld [tilespmem:s31+$0x8210]  }
0x33: {  	v6 =	vld [tilespmem:s31+$0x210]  }
0x34: {  	v7 =	vld [tilespmem:s31+$0x8220]  }
0x35: {  	v8 =	vld [tilespmem:s31+$0x220]  }
0x36: {  	v9 =	vld [tilespmem:s31+$0x8230]  }
0x37: {  	v10 =	vld [tilespmem:s31+$0x230]  }
0x38: {  	v14 =	vld [tilespmem:s31+$0x8240]  }
0x39: {  	v15 =	vld [tilespmem:s31+$0x240]  }
0x3a: {  	v16 =	vld [tilespmem:s31+$0x8250]  }
0x3b: {  	v17 =	vld [tilespmem:s31+$0x250]  }
0x3c: {  	v19 =	vld [tilespmem:s31+$0x10200]  }
0x3d: {  	v21 =	vld [tilespmem:s31+$0x10210];
	v0 =	vsub.f32 v0, v1  }
0x3e: {  	v20 =	vld [tilespmem:s31+$0x260];
	v3 =	vsub.f32 v3, v4;
	v13 =	vsub.f32 v5, v6  }
0x3f: {  	v1 =	vld [tilespmem:s31+$0x8260];
	v12 =	vsub.f32 v7, v8;
	v11 =	vsub.f32 v9, v10  }
0x40: {  	v22 =	vld [tilespmem:s31+$0x10220];
	v10 =	vsub.f32 v14, v15;
	v9 =	vsub.f32 v16, v17  }
0x41: {  	v18 =	vld [tilespmem:s31+$0x10230];
	v7 =	vimm.f32 $0.0e+00;
	v2 =	vmul.f32 v0, v2;
	v4 =	vmul.f32 v3, v19  }
0x42: {  	v17 =	vld [tilespmem:s31+$0x10240];
	v6 =	vimm.f32 $0.0e+00;
	v5 =	vimm.f32 $0.0e+00;
	v19 =	vmul.f32 v13, v21  }
0x43: {  	v15 =	vld [tilespmem:s31+$0x10250];
	v0 =	vmul.f32 v2, v0;
	v2 =	vimm.f32 $0.0e+00;
	v21 =	vmul.f32 v4, v3  }
0x44: {  	s26 =	simm.s32 $0x80;
	v14 =	vld [tilespmem:s31+$0x10260];
	v4 =	vimm.f32 $0.0e+00;
	v3 =	vimm.f32 $0.0e+00;
	v8 =	vsub.f32 v1, v20  }
0x45: {  	v16 =	vld [tilespmem:s26+$0x8270];
	s31 =	simm.s32 $0x400;
	v20 =	vmul.f32 v12, v22;
	v1 =	vimm.f32 $0.0e+00;
	v0 =	vadd.f32 v0, v2  }
.LBB2_2:
0x46: {  	p0 =	sne.s32 s31, $0xFE00;
	v22 =	vld [tilespmem:s26+$0x270];
	v13 =	vmul.f32 v19, v13;
	v18 =	vmul.f32 v11, v18  }
0x47: {  	v19 =	vld [tilespmem:s26+$0x8200];
	v2 =	vadd.f32 v21, v2;
	v12 =	vmul.f32 v20, v12;
	v17 =	vmul.f32 v10, v17  }
0x48: {  	v20 =	vld [tilespmem:s26+$0x10270];
	v7 =	vadd.f32 v13, v7;
	v11 =	vmul.f32 v18, v11;
	v13 =	vmul.f32 v9, v15  }
0x49: {  	v15 =	vld [tilespmem:s26+$0x200];
	v6 =	vadd.f32 v12, v6;
	v10 =	vmul.f32 v17, v10;
	v12 =	vmul.f32 v8, v14  }
0x4a: {  	v14 =	vld [tilespmem:s26+$0x8210];
	v5 =	vadd.f32 v11, v5;
	v9 =	vmul.f32 v13, v9  }
0x4b: {  	v11 =	vld [tilespmem:s26+$0x210];
	v13 =	vsub.f32 v16, v22;
	v4 =	vadd.f32 v10, v4;
	v8 =	vmul.f32 v12, v8  }
0x4c: {  	v10 =	vld [tilespmem:s26+$0x8220];
	v3 =	vadd.f32 v9, v3  }
0x4d: {  	v9 =	vld [tilespmem:s26+$0x220];
	v12 =	vmul.f32 v13, v20;
	v1 =	vadd.f32 v8, v1  }
0x4e: {  	v20 =	vsub.f32 v19, v15;
	v8 =	vld [tilespmem:s26+$0x8230]  }
0x4f: {  	v15 =	vld [tilespmem:s26+$0x230];
	v12 =	vmul.f32 v12, v13  }
0x50: {  	v13 =	vsub.f32 v14, v11;
	v14 =	vld [tilespmem:s26+$0x8240]  }
0x51: {  	v16 =	vld [tilespmem:s26+$0x240];
	v0 =	vadd.f32 v12, v0  }
0x52: {  	v12 =	vsub.f32 v10, v9;
	v9 =	vld [tilespmem:s26+$0x8250]  }
0x53: {  	v17 =	vld [tilespmem:s26+$0x250]  }
0x54: {  	v11 =	vsub.f32 v8, v15;
	v8 =	vld [tilespmem:s26+$0x8260]  }
0x55: {  	v15 =	vld [tilespmem:s26+$0x260]  }
0x56: {  	v19 =	vld [tilespmem:s26+$0x10200];
	v10 =	vsub.f32 v14, v16  }
0x57: {  	v14 =	vld [tilespmem:s26+$0x10210]  }
0x58: {  	v22 =	vld [tilespmem:s26+$0x10220];
	v9 =	vsub.f32 v9, v17  }
.Ltmp0:
0x59: {  	v18 =	vld [tilespmem:s26+$0x10230];
	(pc) =	sbr.rel @p0 .LBB2_2-.Ltmp0, $4  }
0x5a: {  	v17 =	vld [tilespmem:s26+$0x10240];
	v8 =	vsub.f32 v8, v15  }
0x5b: {  	v21 =	vmul.f32 v20, v19;
	v15 =	vld [tilespmem:s26+$0x10250]  }
0x5c: {  	v19 =	vmul.f32 v13, v14;
	v14 =	vld [tilespmem:s26+$0x10260];
	s26 =	sshra.s32 s31, $0x2  }
0x5d: {  	s31 =	sadd.s32 $0x200, s31;
	v16 =	vld [tilespmem:s26+$0x8270];
	v21 =	vmul.f32 v21, v20;
	v20 =	vmul.f32 v12, v22  }
0x5e: {  	v22 =	vld [tilespmem:s26+$0x270]  }
0x5f: {  	v23 =	vld [tilespmem:s26+$0x8200]  }
0x60: {  	v24 =	vld [tilespmem:s26+$0x10270]  }
0x61: {  	v25 =	vld [tilespmem:s26+$0x200]  }
0x62: {  	v26 =	vld [tilespmem:s26+$0x8210]  }
0x63: {  	v27 =	vld [tilespmem:s26+$0x210]  }
0x64: {  	v28 =	vld [tilespmem:s26+$0x8220]  }
0x65: {  	v29 =	vld [tilespmem:s26+$0x220]  }
0x66: {  	v30 =	vld [tilespmem:s26+$0x8230]  }
0x67: {  	v31 =	vld [tilespmem:s26+$0x230]  }
0x68: {  	v32 =	vld [tilespmem:s26+$0x8240]  }
0x69: {  	v33 =	vld [tilespmem:s26+$0x240]  }
0x6a: {  	v34 =	vld [tilespmem:s26+$0x8250]  }
0x6b: {  	v35 =	vld [tilespmem:s26+$0x250]  }
0x6c: {  	v36 =	vld [tilespmem:s26+$0x8260]  }
0x6d: {  	v37 =	vld [tilespmem:s26+$0x260]  }
0x6e: {  	v38 =	vld [tilespmem:s26+$0x10200]  }
0x6f: {  	v39 =	vld [tilespmem:s26+$0x10210]  }
0x70: {  	v40 =	vld [tilespmem:s26+$0x10220]  }
0x71: {  	v41 =	vld [tilespmem:s26+$0x10230]  }
0x72: {  	v42 =	vld [tilespmem:s26+$0x10240]  }
0x73: {  	v43 =	vld [tilespmem:s26+$0x10250]  }
0x74: {  	v44 =	vld [tilespmem:s26+$0x10260];
	s26 =	simm.s32 $0x100  }
0x75: {  	[tilespmem:s19], [sflag:$0x1] =	stream.indirect.gather [hbm4b:s2+s18], $0x80, s26, s18, $0xb8;
	[tilespmem:$0x18280] =	vst v63  }
0x76: {  	s26 =	simm.s32 $0x0  }
0x77: {  	[tilespmem:s15], [sflag:$0x2] =	stream.linear.gather [hbm4b:s9+s26], $0x4000, $0x38;
	[tilespmem:$0x18280] =	vst v63  }
0x78: {  	_ = 	snop  }
0x79: {  	[tilespmem:s16], [sflag:$0x3] =	stream.linear.gather [hbm4b:s10+s26], $0x4000, $0x38;
	[tilespmem:$0x18280] =	vst v63  }
0x7a: {  	_ =	swait.ge [sflag:s28], $0x4000  }
0x7b: {  	[sflag:s28] =	ssyncset.done $0x0  }
0x7c: {  	[sflag:s28] =	ssyncadd.s32 $0xFFFFC000  }
0x7d: {  	_ =	swait.ge [sflag:s29], $0x4000  }
0x7e: {  	[sflag:s29] =	ssyncset.done $0x0  }
0x7f: {  	[sflag:s29] =	ssyncadd.s32 $0xFFFFC000  }
0x80: {  	_ =	swait.ge [sflag:s30], $0x4000  }
0x81: {  	[sflag:s30] =	ssyncset.done $0x0  }
0x82: {  	s31 =	simm.s32 $0x0;
	[sflag:s30] =	ssyncadd.s32 $0xFFFFC000  }
0x83: {  	v45 =	vld [tilespmem:s31+$0xC270]  }
0x84: {  	v46 =	vld [tilespmem:s31+$0x4270]  }
0x85: {  	v13 =	vmul.f32 v19, v13;
	v19 =	vld [tilespmem:s31+$0xC200]  }
0x86: {  	v18 =	vmul.f32 v11, v18;
	v2 =	vadd.f32 v21, v2;
	v21 =	vld [tilespmem:s31+$0x14270]  }
0x87: {  	v12 =	vmul.f32 v20, v12;
	v17 =	vmul.f32 v10, v17;
	v7 =	vadd.f32 v13, v7;
	v13 =	vld [tilespmem:s31+$0x4200]  }
0x88: {  	v11 =	vmul.f32 v18, v11;
	v15 =	vmul.f32 v9, v15;
	v16 =	vsub.f32 v16, v22;
	v20 =	vld [tilespmem:s31+$0xC210]  }
0x89: {  	v12 =	vadd.f32 v12, v6;
	v6 =	vmul.f32 v17, v10;
	v10 =	vmul.f32 v8, v14;
	v14 =	vld [tilespmem:s31+$0x4210]  }
0x8a: {  	v11 =	vadd.f32 v11, v5;
	v5 =	vmul.f32 v15, v9;
	v9 =	vmul.f32 v16, v24;
	v15 =	vld [tilespmem:s31+$0xC220]  }
0x8b: {  	v17 =	vadd.f32 v6, v4;
	v4 =	vmul.f32 v10, v8;
	v6 =	vsub.f32 v23, v25;
	v8 =	vld [tilespmem:s31+$0x4220]  }
0x8c: {  	v10 =	vadd.f32 v5, v3;
	v5 =	vsub.f32 v26, v27;
	v3 =	vmul.f32 v9, v16;
	v9 =	vld [tilespmem:s31+$0xC230]  }
0x8d: {  	v1 =	vadd.f32 v4, v1;
	v4 =	vsub.f32 v28, v29;
	v16 =	vmul.f32 v6, v38;
	v22 =	vld [tilespmem:s31+$0x4230]  }
0x8e: {  	v23 =	vadd.f32 v3, v0;
	v0 =	vsub.f32 v30, v31;
	v3 =	vmul.f32 v5, v39;
	v53 =	vld [tilespmem:s31+$0xC240]  }
0x8f: {  	v18 =	vsub.f32 v32, v33;
	v6 =	vmul.f32 v16, v6;
	v16 =	vmul.f32 v4, v40;
	v54 =	vld [tilespmem:s31+$0x4240]  }
0x90: {  	v55 =	vsub.f32 v34, v35;
	v3 =	vmul.f32 v3, v5;
	v5 =	vmul.f32 v0, v41;
	v56 =	vld [tilespmem:s31+$0xC250]  }
0x91: {  	v57 =	vsub.f32 v36, v37;
	v4 =	vmul.f32 v16, v4;
	v16 =	vmul.f32 v18, v42;
	v58 =	vld [tilespmem:s31+$0x4250]  }
0x92: {  	v6 =	vadd.f32 v6, v2;
	v0 =	vmul.f32 v5, v0;
	v5 =	vmul.f32 v55, v43;
	v60 =	vld [tilespmem:s31+$0xC260]  }
0x93: {  	v2 =	vmul.f32 v16, v18;
	v16 =	vmul.f32 v57, v44;
	v61 =	vld [tilespmem:s31+$0x4260];
	v59 =	vsub.f32 v45, v46  }
0x94: {  	v7 =	vadd.f32 v3, v7;
	v62 =	vld [tilespmem:s31+$0x14200];
	v18 =	vmul.f32 v5, v55;
	v5 =	vadd.f32 v4, v12  }
0x95: {  	v4 =	vadd.f32 v0, v11;
	v0 =	vmul.f32 v16, v57;
	v16 =	vld [tilespmem:s31+$0x14210];
	v21 =	vmul.f32 v59, v21  }
0x96: {  	v63 =	vld [tilespmem:s31+$0x14220];
	v3 =	vadd.f32 v2, v17;
	v2 =	vadd.f32 v18, v10  }
0x97: {  	v0 =	vadd.f32 v0, v1;
	v18 =	vld [tilespmem:s31+$0x14230];
	v10 =	vmul.f32 v21, v59;
	v21 =	vsub.f32 v19, v13  }
0x98: {  	v17 =	vld [tilespmem:s31+$0x14240];
	v12 =	vsub.f32 v15, v8;
	v13 =	vsub.f32 v20, v14  }
0x99: {  	v11 =	vsub.f32 v9, v22;
	v15 =	vld [tilespmem:s31+$0x14250];
	v8 =	vsub.f32 v56, v58;
	v20 =	vmul.f32 v21, v62  }
0x9a: {  	s26 =	simm.s32 $0x80;
	v9 =	vsub.f32 v60, v61;
	v14 =	vld [tilespmem:s31+$0x14260];
	v1 =	vadd.f32 v10, v23;
	v19 =	vmul.f32 v13, v16  }
0x9b: {  	s31 =	simm.s32 $0x400;
	v10 =	vsub.f32 v53, v54;
	v16 =	vld [tilespmem:s26+$0xC270];
	v21 =	vmul.f32 v20, v21;
	v20 =	vmul.f32 v12, v63  }
.LBB2_4:
0x9c: {  	p0 =	sne.s32 s31, $0xFE00;
	v22 =	vld [tilespmem:s26+$0x4270];
	v13 =	vmul.f32 v19, v13;
	v18 =	vmul.f32 v11, v18  }
0x9d: {  	v19 =	vld [tilespmem:s26+$0xC200];
	v6 =	vadd.f32 v21, v6;
	v12 =	vmul.f32 v20, v12;
	v17 =	vmul.f32 v10, v17  }
0x9e: {  	v20 =	vld [tilespmem:s26+$0x14270];
	v7 =	vadd.f32 v13, v7;
	v11 =	vmul.f32 v18, v11;
	v13 =	vmul.f32 v8, v15  }
0x9f: {  	v15 =	vld [tilespmem:s26+$0x4200];
	v5 =	vadd.f32 v12, v5;
	v10 =	vmul.f32 v17, v10;
	v12 =	vmul.f32 v9, v14  }
0xa0: {  	v14 =	vld [tilespmem:s26+$0xC210];
	v4 =	vadd.f32 v11, v4;
	v8 =	vmul.f32 v13, v8  }
0xa1: {  	v11 =	vld [tilespmem:s26+$0x4210];
	v13 =	vsub.f32 v16, v22;
	v3 =	vadd.f32 v10, v3;
	v9 =	vmul.f32 v12, v9  }
0xa2: {  	v10 =	vld [tilespmem:s26+$0xC220];
	v2 =	vadd.f32 v8, v2  }
0xa3: {  	v8 =	vld [tilespmem:s26+$0x4220];
	v12 =	vmul.f32 v13, v20;
	v0 =	vadd.f32 v9, v0  }
0xa4: {  	v20 =	vsub.f32 v19, v15;
	v9 =	vld [tilespmem:s26+$0xC230]  }
0xa5: {  	v15 =	vld [tilespmem:s26+$0x4230];
	v12 =	vmul.f32 v12, v13  }
0xa6: {  	v13 =	vsub.f32 v14, v11;
	v14 =	vld [tilespmem:s26+$0xC240]  }
0xa7: {  	v16 =	vld [tilespmem:s26+$0x4240];
	v1 =	vadd.f32 v12, v1  }
0xa8: {  	v12 =	vsub.f32 v10, v8;
	v8 =	vld [tilespmem:s26+$0xC250]  }
0xa9: {  	v17 =	vld [tilespmem:s26+$0x4250]  }
0xaa: {  	v11 =	vsub.f32 v9, v15;
	v9 =	vld [tilespmem:s26+$0xC260]  }
0xab: {  	v15 =	vld [tilespmem:s26+$0x4260]  }
0xac: {  	v19 =	vld [tilespmem:s26+$0x14200];
	v10 =	vsub.f32 v14, v16  }
0xad: {  	v14 =	vld [tilespmem:s26+$0x14210]  }
0xae: {  	v22 =	vld [tilespmem:s26+$0x14220];
	v8 =	vsub.f32 v8, v17  }
.Ltmp1:
0xaf: {  	v18 =	vld [tilespmem:s26+$0x14230];
	(pc) =	sbr.rel @p0 .LBB2_4-.Ltmp1, $4  }
0xb0: {  	v17 =	vld [tilespmem:s26+$0x14240];
	v9 =	vsub.f32 v9, v15  }
0xb1: {  	v21 =	vmul.f32 v20, v19;
	v15 =	vld [tilespmem:s26+$0x14250]  }
0xb2: {  	v19 =	vmul.f32 v13, v14;
	v14 =	vld [tilespmem:s26+$0x14260];
	s26 =	sshra.s32 s31, $0x2  }
0xb3: {  	s31 =	sadd.s32 $0x200, s31;
	v16 =	vld [tilespmem:s26+$0xC270];
	v21 =	vmul.f32 v21, v20;
	v20 =	vmul.f32 v12, v22  }
0xb4: {  	v22 =	vld [tilespmem:s26+$0x4270]  }
0xb5: {  	v23 =	vld [tilespmem:s26+$0xC200]  }
0xb6: {  	v24 =	vld [tilespmem:s26+$0x14270]  }
0xb7: {  	v25 =	vld [tilespmem:s26+$0x4200]  }
0xb8: {  	v26 =	vld [tilespmem:s26+$0xC210]  }
0xb9: {  	v27 =	vld [tilespmem:s26+$0x4210]  }
0xba: {  	v28 =	vld [tilespmem:s26+$0xC220]  }
0xbb: {  	v29 =	vld [tilespmem:s26+$0x4220]  }
0xbc: {  	v30 =	vld [tilespmem:s26+$0xC230]  }
0xbd: {  	v31 =	vld [tilespmem:s26+$0x4230]  }
0xbe: {  	v32 =	vld [tilespmem:s26+$0xC240]  }
0xbf: {  	v33 =	vld [tilespmem:s26+$0x4240]  }
0xc0: {  	v34 =	vld [tilespmem:s26+$0xC250]  }
0xc1: {  	v35 =	vld [tilespmem:s26+$0x4250]  }
0xc2: {  	v36 =	vld [tilespmem:s26+$0xC260]  }
0xc3: {  	v37 =	vld [tilespmem:s26+$0x4260]  }
0xc4: {  	v38 =	vld [tilespmem:s26+$0x14200]  }
0xc5: {  	v39 =	vld [tilespmem:s26+$0x14210]  }
0xc6: {  	v40 =	vld [tilespmem:s26+$0x14220]  }
0xc7: {  	v41 =	vld [tilespmem:s26+$0x14230]  }
0xc8: {  	v42 =	vld [tilespmem:s26+$0x14240]  }
0xc9: {  	v43 =	vld [tilespmem:s26+$0x14250]  }
0xca: {  	v44 =	vld [tilespmem:s26+$0x14260];
	s26 =	simm.s32 $0x180  }
0xcb: {  	[tilespmem:s20], [sflag:$0x4] =	stream.indirect.gather [hbm4b:s2+s18], $0x80, s26, s18, $0xb8;
	[tilespmem:$0x18280] =	vst v63  }
0xcc: {  	s26 =	simm.s32 $0x0  }
0xcd: {  	[tilespmem:s21], [sflag:$0x5] =	stream.linear.gather [hbm4b:s11+s26], $0x4000, $0x38;
	[tilespmem:$0x18280] =	vst v63  }
0xce: {  	_ = 	snop  }
0xcf: {  	[tilespmem:s22], [sflag:$0x6] =	stream.linear.gather [hbm4b:s12+s26], $0x4000, $0x38;
	[tilespmem:$0x18280] =	vst v63  }
0xd0: {  	_ =	swait.ge [sflag:s25], $0x4000  }
0xd1: {  	[sflag:s25] =	ssyncset.done $0x0  }
0xd2: {  	[sflag:s25] =	ssyncadd.s32 $0xFFFFC000  }
0xd3: {  	_ =	swait.ge [sflag:s23], $0x4000  }
0xd4: {  	[sflag:s23] =	ssyncset.done $0x0  }
0xd5: {  	[sflag:s23] =	ssyncadd.s32 $0xFFFFC000  }
0xd6: {  	_ =	swait.ge [sflag:s24], $0x4000  }
0xd7: {  	[sflag:s24] =	ssyncset.done $0x0  }
0xd8: {  	s31 =	simm.s32 $0x0;
	[sflag:s24] =	ssyncadd.s32 $0xFFFFC000  }
0xd9: {  	v45 =	vld [tilespmem:s31+$0x8270]  }
0xda: {  	v46 =	vld [tilespmem:s31+$0x270]  }
0xdb: {  	v13 =	vmul.f32 v19, v13;
	v19 =	vld [tilespmem:s31+$0x8200]  }
0xdc: {  	v18 =	vmul.f32 v11, v18;
	v6 =	vadd.f32 v21, v6;
	v21 =	vld [tilespmem:s31+$0x10270]  }
0xdd: {  	v12 =	vmul.f32 v20, v12;
	v17 =	vmul.f32 v10, v17;
	v7 =	vadd.f32 v13, v7;
	v13 =	vld [tilespmem:s31+$0x200]  }
0xde: {  	v11 =	vmul.f32 v18, v11;
	v15 =	vmul.f32 v8, v15;
	v16 =	vsub.f32 v16, v22;
	v20 =	vld [tilespmem:s31+$0x8210]  }
0xdf: {  	v5 =	vadd.f32 v12, v5;
	v10 =	vmul.f32 v17, v10;
	v12 =	vmul.f32 v9, v14;
	v14 =	vld [tilespmem:s31+$0x210]  }
0xe0: {  	v4 =	vadd.f32 v11, v4;
	v8 =	vmul.f32 v15, v8;
	v11 =	vmul.f32 v16, v24;
	v15 =	vld [tilespmem:s31+$0x8220]  }
0xe1: {  	v3 =	vadd.f32 v10, v3;
	v9 =	vmul.f32 v12, v9;
	v10 =	vsub.f32 v23, v25;
	v12 =	vld [tilespmem:s31+$0x220]  }
0xe2: {  	v2 =	vadd.f32 v8, v2;
	v8 =	vmul.f32 v11, v16;
	v11 =	vsub.f32 v26, v27;
	v16 =	vld [tilespmem:s31+$0x8230]  }
0xe3: {  	v0 =	vadd.f32 v9, v0;
	v9 =	vsub.f32 v28, v29;
	v17 =	vmul.f32 v10, v38;
	v22 =	vld [tilespmem:s31+$0x230]  }
0xe4: {  	v1 =	vadd.f32 v8, v1;
	v8 =	vsub.f32 v30, v31;
	v18 =	vmul.f32 v11, v39;
	v23 =	vld [tilespmem:s31+$0x8240]  }
0xe5: {  	v53 =	vsub.f32 v32, v33;
	v10 =	vmul.f32 v17, v10;
	v17 =	vmul.f32 v9, v40;
	v54 =	vld [tilespmem:s31+$0x240]  }
0xe6: {  	v55 =	vsub.f32 v34, v35;
	v11 =	vmul.f32 v18, v11;
	v18 =	vmul.f32 v8, v41;
	v56 =	vld [tilespmem:s31+$0x8250]  }
0xe7: {  	v57 =	vsub.f32 v36, v37;
	v9 =	vmul.f32 v17, v9;
	v17 =	vmul.f32 v53, v42;
	v58 =	vld [tilespmem:s31+$0x250]  }
0xe8: {  	v8 =	vmul.f32 v18, v8;
	v18 =	vmul.f32 v55, v43;
	v60 =	vld [tilespmem:s31+$0x8260];
	v59 =	vsub.f32 v45, v46  }
0xe9: {  	v6 =	vadd.f32 v10, v6;
	v10 =	vmul.f32 v17, v53;
	v17 =	vmul.f32 v57, v44;
	v61 =	vld [tilespmem:s31+$0x260]  }
0xea: {  	v7 =	vadd.f32 v11, v7;
	v11 =	vmul.f32 v18, v55;
	v18 =	vmul.f32 v59, v21;
	v21 =	vld [tilespmem:s31+$0x10200]  }
0xeb: {  	v5 =	vadd.f32 v9, v5;
	v9 =	vld [tilespmem:s31+$0x10210];
	v4 =	vadd.f32 v8, v4;
	v8 =	vmul.f32 v17, v57  }
0xec: {  	v3 =	vadd.f32 v10, v3;
	v62 =	vld [tilespmem:s31+$0x10220];
	v2 =	vadd.f32 v11, v2  }
0xed: {  	v0 =	vadd.f32 v8, v0;
	v63 =	vsub.f32 v19, v13;
	v10 =	vmul.f32 v18, v59;
	v18 =	vld [tilespmem:s31+$0x10230]  }
0xee: {  	v17 =	vld [tilespmem:s31+$0x10240];
	v13 =	vsub.f32 v20, v14;
	v12 =	vsub.f32 v15, v12  }
0xef: {  	v11 =	vsub.f32 v16, v22;
	v15 =	vld [tilespmem:s31+$0x10250];
	v8 =	vsub.f32 v56, v58;
	v20 =	vmul.f32 v63, v21  }
0xf0: {  	s26 =	simm.s32 $0x80;
	v14 =	vld [tilespmem:s31+$0x10260];
	v19 =	vmul.f32 v13, v9;
	v9 =	vsub.f32 v60, v61;
	v1 =	vadd.f32 v10, v1  }
0xf1: {  	v16 =	vld [tilespmem:s26+$0x8270];
	s31 =	simm.s32 $0x400;
	v10 =	vsub.f32 v23, v54;
	v21 =	vmul.f32 v20, v63;
	v20 =	vmul.f32 v12, v62  }
.LBB2_6:
0xf2: {  	p0 =	sne.s32 s31, $0xFE00;
	v22 =	vld [tilespmem:s26+$0x270];
	v13 =	vmul.f32 v19, v13;
	v18 =	vmul.f32 v11, v18  }
0xf3: {  	v19 =	vld [tilespmem:s26+$0x8200];
	v6 =	vadd.f32 v21, v6;
	v12 =	vmul.f32 v20, v12;
	v17 =	vmul.f32 v10, v17  }
0xf4: {  	v20 =	vld [tilespmem:s26+$0x10270];
	v7 =	vadd.f32 v13, v7;
	v11 =	vmul.f32 v18, v11;
	v13 =	vmul.f32 v8, v15  }
0xf5: {  	v15 =	vld [tilespmem:s26+$0x200];
	v5 =	vadd.f32 v12, v5;
	v10 =	vmul.f32 v17, v10;
	v12 =	vmul.f32 v9, v14  }
0xf6: {  	v14 =	vld [tilespmem:s26+$0x8210];
	v4 =	vadd.f32 v11, v4;
	v8 =	vmul.f32 v13, v8  }
0xf7: {  	v11 =	vld [tilespmem:s26+$0x210];
	v13 =	vsub.f32 v16, v22;
	v3 =	vadd.f32 v10, v3;
	v9 =	vmul.f32 v12, v9  }
0xf8: {  	v10 =	vld [tilespmem:s26+$0x8220];
	v2 =	vadd.f32 v8, v2  }
0xf9: {  	v8 =	vld [tilespmem:s26+$0x220];
	v12 =	vmul.f32 v13, v20;
	v0 =	vadd.f32 v9, v0  }
0xfa: {  	v20 =	vsub.f32 v19, v15;
	v9 =	vld [tilespmem:s26+$0x8230]  }
0xfb: {  	v15 =	vld [tilespmem:s26+$0x230];
	v12 =	vmul.f32 v12, v13  }
0xfc: {  	v13 =	vsub.f32 v14, v11;
	v14 =	vld [tilespmem:s26+$0x8240]  }
0xfd: {  	v16 =	vld [tilespmem:s26+$0x240];
	v1 =	vadd.f32 v12, v1  }
0xfe: {  	v12 =	vsub.f32 v10, v8;
	v8 =	vld [tilespmem:s26+$0x8250]  }
0xff: {  	v17 =	vld [tilespmem:s26+$0x250]  }
0x100: {  	v11 =	vsub.f32 v9, v15;
	v9 =	vld [tilespmem:s26+$0x8260]  }
0x101: {  	v15 =	vld [tilespmem:s26+$0x260]  }
0x102: {  	v19 =	vld [tilespmem:s26+$0x10200];
	v10 =	vsub.f32 v14, v16  }
0x103: {  	v14 =	vld [tilespmem:s26+$0x10210]  }
0x104: {  	v22 =	vld [tilespmem:s26+$0x10220];
	v8 =	vsub.f32 v8, v17  }
.Ltmp2:
0x105: {  	v18 =	vld [tilespmem:s26+$0x10230];
	(pc) =	sbr.rel @p0 .LBB2_6-.Ltmp2, $4  }
0x106: {  	v17 =	vld [tilespmem:s26+$0x10240];
	v9 =	vsub.f32 v9, v15  }
0x107: {  	v21 =	vmul.f32 v20, v19;
	v15 =	vld [tilespmem:s26+$0x10250]  }
0x108: {  	v19 =	vmul.f32 v13, v14;
	v14 =	vld [tilespmem:s26+$0x10260];
	s26 =	sshra.s32 s31, $0x2  }
0x109: {  	s31 =	sadd.s32 $0x200, s31;
	v16 =	vld [tilespmem:s26+$0x8270];
	v21 =	vmul.f32 v21, v20;
	v20 =	vmul.f32 v12, v22  }
0x10a: {  	v22 =	vld [tilespmem:s26+$0x270]  }
0x10b: {  	v23 =	vld [tilespmem:s26+$0x8200]  }
0x10c: {  	v24 =	vld [tilespmem:s26+$0x10270]  }
0x10d: {  	v25 =	vld [tilespmem:s26+$0x200]  }
0x10e: {  	v26 =	vld [tilespmem:s26+$0x8210]  }
0x10f: {  	v27 =	vld [tilespmem:s26+$0x210]  }
0x110: {  	v28 =	vld [tilespmem:s26+$0x8220]  }
0x111: {  	v29 =	vld [tilespmem:s26+$0x220]  }
0x112: {  	v30 =	vld [tilespmem:s26+$0x8230]  }
0x113: {  	v31 =	vld [tilespmem:s26+$0x230]  }
0x114: {  	v32 =	vld [tilespmem:s26+$0x8240]  }
0x115: {  	v33 =	vld [tilespmem:s26+$0x240]  }
0x116: {  	v34 =	vld [tilespmem:s26+$0x8250]  }
0x117: {  	v35 =	vld [tilespmem:s26+$0x250]  }
0x118: {  	v36 =	vld [tilespmem:s26+$0x8260]  }
0x119: {  	v37 =	vld [tilespmem:s26+$0x260]  }
0x11a: {  	v38 =	vld [tilespmem:s26+$0x10200]  }
0x11b: {  	v39 =	vld [tilespmem:s26+$0x10210]  }
0x11c: {  	v40 =	vld [tilespmem:s26+$0x10220]  }
0x11d: {  	v41 =	vld [tilespmem:s26+$0x10230]  }
0x11e: {  	v42 =	vld [tilespmem:s26+$0x10240]  }
0x11f: {  	v43 =	vld [tilespmem:s26+$0x10250]  }
0x120: {  	v44 =	vld [tilespmem:s26+$0x10260];
	_ =	swait.ge [sflag:s28], $0x4000  }
0x121: {  	[sflag:s28] =	ssyncset.done $0x0  }
0x122: {  	[sflag:s28] =	ssyncadd.s32 $0xFFFFC000  }
0x123: {  	_ =	swait.ge [sflag:s29], $0x4000  }
0x124: {  	[sflag:s29] =	ssyncset.done $0x0  }
0x125: {  	[sflag:s29] =	ssyncadd.s32 $0xFFFFC000  }
0x126: {  	_ =	swait.ge [sflag:s30], $0x4000  }
0x127: {  	[sflag:s30] =	ssyncset.done $0x0  }
0x128: {  	s31 =	simm.s32 $0x0;
	[sflag:s30] =	ssyncadd.s32 $0xFFFFC000  }
0x129: {  	v45 =	vld [tilespmem:s31+$0xC270]  }
0x12a: {  	v46 =	vld [tilespmem:s31+$0x4270]  }
0x12b: {  	v13 =	vmul.f32 v19, v13;
	v19 =	vld [tilespmem:s31+$0xC200]  }
0x12c: {  	v18 =	vmul.f32 v11, v18;
	v6 =	vadd.f32 v21, v6;
	v21 =	vld [tilespmem:s31+$0x14270]  }
0x12d: {  	v12 =	vmul.f32 v20, v12;
	v17 =	vmul.f32 v10, v17;
	v7 =	vadd.f32 v13, v7;
	v13 =	vld [tilespmem:s31+$0x4200]  }
0x12e: {  	v11 =	vmul.f32 v18, v11;
	v15 =	vmul.f32 v8, v15;
	v16 =	vsub.f32 v16, v22;
	v20 =	vld [tilespmem:s31+$0xC210]  }
0x12f: {  	v5 =	vadd.f32 v12, v5;
	v10 =	vmul.f32 v17, v10;
	v12 =	vmul.f32 v9, v14;
	v14 =	vld [tilespmem:s31+$0x4210]  }
0x130: {  	v4 =	vadd.f32 v11, v4;
	v8 =	vmul.f32 v15, v8;
	v11 =	vmul.f32 v16, v24;
	v17 =	vld [tilespmem:s31+$0xC220]  }
0x131: {  	v3 =	vadd.f32 v10, v3;
	v9 =	vmul.f32 v12, v9;
	v10 =	vsub.f32 v23, v25;
	v12 =	vld [tilespmem:s31+$0x4220]  }
0x132: {  	v2 =	vadd.f32 v8, v2;
	v8 =	vmul.f32 v11, v16;
	v11 =	vsub.f32 v26, v27;
	v22 =	vld [tilespmem:s31+$0xC230]  }
0x133: {  	v0 =	vadd.f32 v9, v0;
	v9 =	vsub.f32 v28, v29;
	v15 =	vmul.f32 v10, v38;
	v23 =	vld [tilespmem:s31+$0x4230]  }
0x134: {  	v52 =	vld [tilespmem:s31+$0xC240];
	v8 =	vadd.f32 v8, v1;
	v1 =	vsub.f32 v30, v31;
	v16 =	vmul.f32 v11, v39  }
0x135: {  	v18 =	vsub.f32 v32, v33;
	v10 =	vmul.f32 v15, v10;
	v15 =	vmul.f32 v9, v40;
	v53 =	vld [tilespmem:s31+$0x4240]  }
0x136: {  	v54 =	vsub.f32 v34, v35;
	v55 =	vld [tilespmem:s31+$0xC250];
	v11 =	vmul.f32 v16, v11;
	v16 =	vmul.f32 v1, v41  }
0x137: {  	v57 =	vld [tilespmem:s31+$0x4250];
	v9 =	vmul.f32 v15, v9;
	v15 =	vmul.f32 v18, v42  }
0x138: {  	v59 =	vld [tilespmem:s31+$0xC260];
	v58 =	vsub.f32 v45, v46;
	v1 =	vmul.f32 v16, v1;
	v16 =	vmul.f32 v54, v43  }
0x139: {  	v56 =	vsub.f32 v36, v37;
	v60 =	vld [tilespmem:s31+$0x4260];
	v6 =	vadd.f32 v10, v6;
	v10 =	vmul.f32 v15, v18  }
0x13a: {  	v7 =	vadd.f32 v11, v7;
	v11 =	vmul.f32 v16, v54;
	v16 =	vmul.f32 v58, v21;
	v21 =	vld [tilespmem:s31+$0x14200]  }
0x13b: {  	v61 =	vld [tilespmem:s31+$0x14210];
	v15 =	vmul.f32 v56, v44;
	v5 =	vadd.f32 v9, v5;
	v63 =	vsub.f32 v19, v13  }
0x13c: {  	v62 =	vld [tilespmem:s31+$0x14220];
	v3 =	vadd.f32 v10, v3;
	v4 =	vadd.f32 v1, v4  }
0x13d: {  	v18 =	vld [tilespmem:s31+$0x14230];
	v1 =	vmul.f32 v15, v56;
	v15 =	vsub.f32 v20, v14;
	v14 =	vsub.f32 v17, v12  }
0x13e: {  	v12 =	vsub.f32 v22, v23;
	v2 =	vadd.f32 v11, v2;
	v9 =	vmul.f32 v16, v58;
	v16 =	vld [tilespmem:s31+$0x14240]  }
0x13f: {  	v17 =	vld [tilespmem:s31+$0x14250];
	v1 =	vadd.f32 v1, v0;
	v11 =	vsub.f32 v52, v53;
	v20 =	vmul.f32 v63, v21  }
0x140: {  	s26 =	simm.s32 $0x80;
	v10 =	vld [tilespmem:s31+$0x14260];
	v19 =	vmul.f32 v15, v61;
	v0 =	vadd.f32 v9, v8;
	v9 =	vsub.f32 v55, v57  }
0x141: {  	v13 =	vld [tilespmem:s26+$0xC270];
	s31 =	simm.s32 $0x400;
	v8 =	vsub.f32 v59, v60;
	v21 =	vmul.f32 v20, v63;
	v20 =	vmul.f32 v14, v62  }
.LBB2_8:
0x142: {  	p0 =	sne.s32 s31, $0xFE00;
	v22 =	vld [tilespmem:s26+$0x4270];
	v15 =	vmul.f32 v19, v15;
	v18 =	vmul.f32 v12, v18  }
0x143: {  	v19 =	vld [tilespmem:s26+$0xC200];
	v6 =	vadd.f32 v21, v6;
	v14 =	vmul.f32 v20, v14;
	v16 =	vmul.f32 v11, v16  }
0x144: {  	v20 =	vld [tilespmem:s26+$0x14270];
	v7 =	vadd.f32 v15, v7;
	v12 =	vmul.f32 v18, v12;
	v15 =	vmul.f32 v9, v17  }
0x145: {  	v17 =	vld [tilespmem:s26+$0x4200];
	v5 =	vadd.f32 v14, v5;
	v11 =	vmul.f32 v16, v11;
	v10 =	vmul.f32 v8, v10  }
0x146: {  	v14 =	vld [tilespmem:s26+$0xC210];
	v4 =	vadd.f32 v12, v4;
	v9 =	vmul.f32 v15, v9  }
0x147: {  	v12 =	vld [tilespmem:s26+$0x4210];
	v13 =	vsub.f32 v13, v22;
	v3 =	vadd.f32 v11, v3;
	v8 =	vmul.f32 v10, v8  }
0x148: {  	v10 =	vld [tilespmem:s26+$0xC220];
	v2 =	vadd.f32 v9, v2  }
0x149: {  	v9 =	vld [tilespmem:s26+$0x4220];
	v11 =	vmul.f32 v13, v20;
	v1 =	vadd.f32 v8, v1  }
0x14a: {  	v20 =	vsub.f32 v19, v17;
	v8 =	vld [tilespmem:s26+$0xC230]  }
0x14b: {  	v16 =	vld [tilespmem:s26+$0x4230];
	v11 =	vmul.f32 v11, v13  }
0x14c: {  	v15 =	vsub.f32 v14, v12;
	v13 =	vld [tilespmem:s26+$0xC240]  }
0x14d: {  	v17 =	vld [tilespmem:s26+$0x4240];
	v0 =	vadd.f32 v11, v0  }
0x14e: {  	v14 =	vsub.f32 v10, v9;
	v9 =	vld [tilespmem:s26+$0xC250]  }
0x14f: {  	v10 =	vld [tilespmem:s26+$0x4250]  }
0x150: {  	v12 =	vsub.f32 v8, v16;
	v8 =	vld [tilespmem:s26+$0xC260]  }
0x151: {  	v19 =	vld [tilespmem:s26+$0x4260]  }
0x152: {  	v21 =	vld [tilespmem:s26+$0x14200];
	v11 =	vsub.f32 v13, v17  }
0x153: {  	v13 =	vld [tilespmem:s26+$0x14210]  }
0x154: {  	v22 =	vld [tilespmem:s26+$0x14220];
	v9 =	vsub.f32 v9, v10  }
.Ltmp3:
0x155: {  	v18 =	vld [tilespmem:s26+$0x14230];
	(pc) =	sbr.rel @p0 .LBB2_8-.Ltmp3, $4  }
0x156: {  	v16 =	vld [tilespmem:s26+$0x14240];
	v8 =	vsub.f32 v8, v19  }
0x157: {  	v21 =	vmul.f32 v20, v21;
	v17 =	vld [tilespmem:s26+$0x14250]  }
0x158: {  	v19 =	vmul.f32 v15, v13;
	v10 =	vld [tilespmem:s26+$0x14260];
	s26 =	sshra.s32 s31, $0x2  }
0x159: {  	s31 =	sadd.s32 $0x200, s31;
	v13 =	vld [tilespmem:s26+$0xC270];
	v21 =	vmul.f32 v21, v20;
	v20 =	vmul.f32 v14, v22  }
0x15a: {  	v22 =	vld [tilespmem:s26+$0x4270]  }
0x15b: {  	v23 =	vld [tilespmem:s26+$0xC200]  }
0x15c: {  	v24 =	vld [tilespmem:s26+$0x4200]  }
0x15d: {  	v25 =	vld [tilespmem:s26+$0xC210]  }
0x15e: {  	v26 =	vld [tilespmem:s26+$0x4210]  }
0x15f: {  	v27 =	vld [tilespmem:s26+$0xC220]  }
0x160: {  	v28 =	vld [tilespmem:s26+$0x4220]  }
0x161: {  	v29 =	vld [tilespmem:s26+$0xC230]  }
0x162: {  	v30 =	vld [tilespmem:s26+$0x4230]  }
0x163: {  	v31 =	vld [tilespmem:s26+$0xC240]  }
0x164: {  	v32 =	vld [tilespmem:s26+$0x4240]  }
0x165: {  	v33 =	vld [tilespmem:s26+$0xC250]  }
0x166: {  	v34 =	vld [tilespmem:s26+$0x14200]  }
0x167: {  	v63 =	vld [tilespmem:s26+$0x14210];
	v18 =	vmul.f32 v12, v18  }
0x168: {  	v15 =	vmul.f32 v19, v15;
	v37 =	vld [tilespmem:s26+$0x14220];
	v14 =	vmul.f32 v20, v14  }
0x169: {  	v35 =	vld [tilespmem:s26+$0x4250];
	v6 =	vadd.f32 v21, v6;
	v16 =	vmul.f32 v11, v16;
	v12 =	vmul.f32 v18, v12  }
0x16a: {  	v39 =	vld [tilespmem:s26+$0x14230];
	v17 =	vmul.f32 v9, v17;
	v36 =	vsub.f32 v23, v24;
	v38 =	vsub.f32 v25, v26  }
0x16b: {  	v40 =	vld [tilespmem:s26+$0xC260];
	v11 =	vmul.f32 v16, v11;
	v10 =	vmul.f32 v8, v10;
	v41 =	vsub.f32 v27, v28  }
0x16c: {  	v44 =	vld [tilespmem:s26+$0x14240];
	v7 =	vadd.f32 v15, v7;
	v24 =	vmul.f32 v36, v34;
	v19 =	vmul.f32 v38, v63  }
0x16d: {  	v42 =	vld [tilespmem:s26+$0x4260];
	v9 =	vmul.f32 v17, v9;
	v43 =	vsub.f32 v29, v30;
	v47 =	vmul.f32 v41, v37  }
0x16e: {  	v46 =	vld [tilespmem:s26+$0x14250];
	v5 =	vadd.f32 v14, v5;
	v15 =	vmul.f32 v24, v36;
	v45 =	vmul.f32 v19, v38  }
0x16f: {  	v4 =	vadd.f32 v12, v4;
	v48 =	vsub.f32 v31, v32;
	v49 =	vmul.f32 v43, v39  }
0x170: {  	v51 =	vld [tilespmem:s26+$0x14260];
	v50 =	vmul.f32 v47, v41;
	v6 =	vadd.f32 v15, v6;
	v7 =	vadd.f32 v45, v7  }
0x171: {  	v13 =	vsub.f32 v13, v22;
	v52 =	vsub.f32 v33, v35;
	v54 =	vmul.f32 v48, v44  }
0x172: {  	v53 =	vld [tilespmem:s26+$0x14270];
	v17 =	vmul.f32 v49, v43;
	v5 =	vadd.f32 v50, v5;
	v6 =	vadd.f32 v7, v6  }
0x173: {  	v3 =	vadd.f32 v11, v3;
	v55 =	vsub.f32 v40, v42;
	v56 =	vmul.f32 v52, v46  }
0x174: {  	v57 =	vmul.f32 v54, v48;
	v4 =	vadd.f32 v17, v4;
	v5 =	vadd.f32 v5, v6  }
0x175: {  	v58 =	vmul.f32 v10, v8;
	v2 =	vadd.f32 v9, v2;
	v59 =	vmul.f32 v55, v51  }
0x176: {  	v60 =	vmul.f32 v56, v52;
	v3 =	vadd.f32 v57, v3;
	v4 =	vadd.f32 v4, v5  }
0x177: {  	v61 =	vmul.f32 v13, v53;
	v1 =	vadd.f32 v58, v1  }
0x178: {  	v62 =	vmul.f32 v59, v55;
	v2 =	vadd.f32 v60, v2;
	v3 =	vadd.f32 v3, v4;
	_ =	sdelay $0x1  }
0x179: {  	v63 =	vmul.f32 v61, v13;
	v1 =	vadd.f32 v62, v1;
	v2 =	vadd.f32 v2, v3;
	_ =	sdelay $0x1  }
0x17a: {  	v0 =	vadd.f32 v63, v0;
	v1 =	vadd.f32 v1, v2;
	_ =	sdelay $0x1  }
0x17b: {  	s1 =	sadd.s32 $0x1, s1;
	v0 =	vadd.f32 v0, v1  }
0x17c: {  	p0 =	sne.s32 s1, s14  }
.Ltmp4:
0x17d: {  	[tilespmem:$0x18200] =	vst v0;
	(pc) =	sbr.rel @p0 .LBB2_1-.Ltmp4, $4  }
0x17e: {  	[hbm4b:s13+s3] =	stream.linear.scatter [tilespmem:s0], [sflag:$0x7], $0x10, $0x38;
	[tilespmem:$0x18280] =	vst v63  }
0x17f: {  	_ =	swait.ge [sflag:s17], $0x10  }
0x180: {  	[sflag:s17] =	ssyncset.done $0x0  }
0x181: {  	[sflag:s17] =	ssyncadd.s32 $0xFFFFFFF0  }
0x182: {  	_ =	sfence.sel $0x180000  }
0x183: {  	[bflag:$0x0] =	sbarrier.arrive $0xFFFF  }
0x184: {  	_ =	strace $0x90000047  }
0x185: {  	s0 =	stileid.u32;
	[bflag:$0x2] =	sbarrier.arrive $0xFFFF  }
0x186: {  	p0 =	sne.s32 s0, $0x0;
	s0 =	rddreg [dreg:$0x5]  }
0x187: {  	s0 =	sadd.s32 @!p0 $0x100000, s0  }
0x188: {  	[sflag:s0] =	ssyncadd.tile.s32 @!p0 $0x1;
	_ =	shalt  }
.Lfunc_end2:
_tile_overlayer_lowered:
.L_overlay_start_2:
0x189: {  	(tag) =	ssettag $0x2  }
0x18a: {  	s0 =	rddreg [dreg:$0x0];
	s2 =	stileid.u32  }
0x18b: {  	s1 =	rddreg [dreg:$0x1];
	p0 =	sne.s32 s2, $0x0  }
0x18c: {  	s3 =	rddreg [dreg:$0x2];
	[bflag:$0x3] =	sbarrier.arrive $0xFFFF;
	s2 =	simm.s32 @!p0 $0x1C07  }
0x18d: {  	[timem:s3], [sflag:s2] =	dma.local @!p0 [hbm:s0], s1  }
0x18e: {  	s0 =	simm.s32 @!p0 $0x7  }
0x18f: {  	_ =	swait.ge @!p0 [sflag:s0], s1  }
0x190: {  	s1 =	ssub.s32 @!p0 $0x0, s1;
	[sflag:s0] =	ssyncset.done @!p0 $0x0  }
0x191: {  	[sflag:s0] =	ssyncadd.s32 @!p0 s1  }
0x192: {  	[bflag:$0x3] =	sbarrier.arrive $0xFFFF  }
0x193: {  	_ =	shalt  }

</sc_bundles>
